<compile_context>
chip_gen: v7x
topology: tpu7x:2x2x1
jax: 0.10.2.dev20260603
libtpu: 0.0.44.dev20260713+nightly
codegen_flags: <defaults>
</compile_context>

<pallas_src>
import functools

import jax
import jax.numpy as jnp
from jax import lax
from jax.experimental import pallas as pl
from jax.experimental.pallas import tpu as pltpu
from jax.experimental.pallas import tpu_sc as plsc

N_NODES = 10000
N_EDGES = 320000
DIM = 128
HEADS = 4
GDIM = HEADS * DIM

NC = 2
NS = 16
NW = NC * NS
EC = N_EDGES // NW
SUB = 80
CHUNK = 400
NCHUNK = EC // CHUNK
NBATCH = SUB // 16
NBATCH_A = CHUNK // 16
NP = 10240
ROWS_PER_TILE = NP // NS

_SC_PARAMS = pltpu.CompilerParams(use_tc_tiling_on_sc=False,
                                  needs_layout_passes=False)

DW = 16


HGDIM = GDIM // 2


def _tc_prep_body(x_ref, wta_ref, wtb_ref, a8_ref, ga_ref, gb_ref, t8_ref):
    x = x_ref[...]
    g = []
    for q, wref in ((0, wta_ref), (1, wtb_ref)):
        for h in range(2):
            g.append(jnp.dot(x, wref[:, h * DIM:(h + 1) * DIM],
                             preferred_element_type=jnp.float32))
    ga_ref[:, 0, :] = g[0].astype(jnp.bfloat16)
    ga_ref[:, 1, :] = g[1].astype(jnp.bfloat16)
    gb_ref[:, 0, :] = g[2].astype(jnp.bfloat16)
    gb_ref[:, 1, :] = g[3].astype(jnp.bfloat16)
    t8 = jnp.dot(g[0], a8_ref[0 * DIM:1 * DIM],
                 preferred_element_type=jnp.float32)
    for q in range(1, 4):
        t8 = t8 + jnp.dot(g[q], a8_ref[q * DIM:(q + 1) * DIM],
                          preferred_element_type=jnp.float32)
    t8_ref[...] = t8


def _tc_prep(x, wta, wtb, a8):
    rows = 1000
    grid = N_NODES // rows
    return pl.pallas_call(
        _tc_prep_body,
        grid=(grid,),
        in_specs=[
            pl.BlockSpec((rows, DIM), lambda i: (i, 0)),
            pl.BlockSpec((DIM, HGDIM), lambda i: (0, 0)),
            pl.BlockSpec((DIM, HGDIM), lambda i: (0, 0)),
            pl.BlockSpec((GDIM, 8), lambda i: (0, 0)),
        ],
        out_specs=[
            pl.BlockSpec((rows, 2, DIM), lambda i: (i, 0, 0)),
            pl.BlockSpec((rows, 2, DIM), lambda i: (i, 0, 0)),
            pl.BlockSpec((rows, 8), lambda i: (i, 0)),
        ],
        out_shape=[
            jax.ShapeDtypeStruct((N_NODES, 2, DIM), jnp.bfloat16),
            jax.ShapeDtypeStruct((N_NODES, 2, DIM), jnp.bfloat16),
            jax.ShapeDtypeStruct((N_NODES, 8), jnp.float32),
        ],
    )(x, wta, wtb, a8)


def _sc_edge_scores_body(src_hbm, dst_hbm, t8_hbm, zden_hbm,
                         w_hbm, dpart_hbm,
                         t8v, srcv, dstv, wrow, wc, den):
    c = lax.axis_index("c")
    s = lax.axis_index("s")
    wid = c * NS + s

    pltpu.sync_copy(t8_hbm, t8v)
    pltpu.sync_copy(zden_hbm, den.at[pl.ds(s * ROWS_PER_TILE, ROWS_PER_TILE)])
    pltpu.sync_copy(zden_hbm.at[pl.ds(0, CHUNK)], wrow)
    plsc.subcore_barrier()

    lane = lax.iota(jnp.int32, 16)

    def chunk_body(k, _):
        base = wid * EC + k * CHUNK
        pltpu.sync_copy(src_hbm.at[pl.ds(base, CHUNK)], srcv)
        pltpu.sync_copy(dst_hbm.at[pl.ds(base, CHUNK)], dstv)

        def batch_body(b, _):
            rows = lane + b * 16
            s16 = srcv[pl.ds(b * 16, 16)]
            d16 = dstv[pl.ds(b * 16, 16)]
            si8 = s16 * 8
            dj8 = d16 * 8
            for h in range(HEADS):
                si = plsc.load_gather(t8v, [si8 + h])
                sj = plsc.load_gather(t8v, [dj8 + (4 + h)])
                e = si + sj
                e = jnp.where(e >= 0.0, e, 0.2 * e)
                w = jnp.exp(e)
                cols = jnp.full((16,), h, jnp.int32)
                plsc.store_scatter(wrow, [rows, cols], w)
                plsc.store_scatter(wc, [rows, cols], w)
            return 0

        lax.fori_loop(0, NBATCH_A, batch_body, 0)
        pltpu.sync_copy(wrow, den.at[srcv], add=True)
        pltpu.sync_copy(wc, w_hbm.at[pl.ds(base, CHUNK)])
        return 0

    lax.fori_loop(0, NCHUNK, chunk_body, 0)
    plsc.subcore_barrier()
    pltpu.sync_copy(den.at[pl.ds(s * ROWS_PER_TILE, ROWS_PER_TILE)],
                    dpart_hbm.at[c, pl.ds(s * ROWS_PER_TILE, ROWS_PER_TILE)])


def _sc_edge_scores(srcf, dstf, t8f, zden):
    mesh = plsc.VectorSubcoreMesh(core_axis_name="c", subcore_axis_name="s")
    f = pl.kernel(
        _sc_edge_scores_body,
        out_type=[
            jax.ShapeDtypeStruct((N_EDGES, 4), jnp.float32),
            jax.ShapeDtypeStruct((NC, NP, DW), jnp.float32),
        ],
        mesh=mesh,
        scratch_types=[
            pltpu.VMEM((N_NODES * 8,), jnp.float32),
            pltpu.VMEM((CHUNK,), jnp.int32),
            pltpu.VMEM((CHUNK,), jnp.int32),
            pltpu.VMEM((CHUNK, DW), jnp.float32),
            pltpu.VMEM((CHUNK, 4), jnp.float32),
            pltpu.VMEM_SHARED((NP, DW), jnp.float32),
        ],
        compiler_params=_SC_PARAMS,
    )
    return f(srcf, dstf, t8f, zden)


def _tc_invd_body(dp_ref, o_ref):
    o_ref[...] = 0.25 / (dp_ref[0] + dp_ref[1] + 1e-16)


def _tc_invd(dpart):
    return pl.pallas_call(
        _tc_invd_body,
        out_shape=jax.ShapeDtypeStruct((NP, DW), jnp.float32),
    )(dpart)


NSUBT = EC // SUB


def _sc_aggregate_body(srcE_hbm, dstE_hbm, w_hbm, invd_hbm, ga_hbm, gb_hbm,
                       zacc_hbm, opart_hbm,
                       src2, dst2, wv, ivrows, attb, grows_a, grows_b, crow,
                       acc, sem_in, sem_w, sem_iv, sem_a, sem_b):
    c = lax.axis_index("c")
    s = lax.axis_index("s")
    wid = c * NS + s
    e0 = wid * EC

    pltpu.sync_copy(zacc_hbm, acc.at[pl.ds(s * ROWS_PER_TILE, ROWS_PER_TILE)])
    plsc.subcore_barrier()

    lane = lax.iota(jnp.int32, 16)

    pltpu.sync_copy(srcE_hbm.at[pl.ds(e0, SUB)], src2.at[0])
    pltpu.sync_copy(dstE_hbm.at[pl.ds(e0, SUB)], dst2.at[0])
    pltpu.async_copy(w_hbm.at[pl.ds(e0, SUB)], wv, sem_w)
    pltpu.async_copy(invd_hbm.at[src2.at[0]], ivrows, sem_iv)
    pltpu.async_copy(ga_hbm.at[dst2.at[0]], grows_a, sem_a)

    def sub_body(sub, _):
        p = lax.rem(sub, 2)
        pn = 1 - p
        nxt = sub + 1
        pltpu.async_copy(gb_hbm.at[dst2.at[p]], grows_b, sem_b)

        @pl.when(nxt < NSUBT)
        def _prefetch_idx():
            pltpu.async_copy(
                srcE_hbm.at[pl.ds(e0 + nxt * SUB, SUB)], src2.at[pn], sem_in)
            pltpu.async_copy(
                dstE_hbm.at[pl.ds(e0 + nxt * SUB, SUB)], dst2.at[pn], sem_in)

        pltpu.make_async_copy(w_hbm.at[pl.ds(0, SUB)], wv, sem_w).wait()
        pltpu.make_async_copy(invd_hbm.at[src2.at[p]], ivrows, sem_iv).wait()
        for b in range(NBATCH):
            rows = lane + b * 16
            for h in range(HEADS):
                cols = jnp.full((16,), h, jnp.int32)
                iv = plsc.load_gather(ivrows, [rows, cols])
                wh = plsc.load_gather(wv, [rows, cols])
                plsc.store_scatter(attb, [rows * 4 + h], iv * wh)

        pltpu.make_async_copy(ga_hbm.at[dst2.at[p]], grows_a, sem_a).wait()

        def edge_body_a(j, _):
            av = attb[pl.ds(j * 4, 16)]
            a0 = av[0]
            a1 = av[1]
            for wnd in range(4):
                x0 = grows_a[j, 0, pl.ds(wnd * 32, 32)]
                x1 = grows_a[j, 1, pl.ds(wnd * 32, 32)]
                lo0, hi0 = plsc.unpack(x0, format=plsc.PackFormat.INTERLEAVED)
                lo1, hi1 = plsc.unpack(x1, format=plsc.PackFormat.INTERLEAVED)
                o = wnd * 16
                crow[j, pl.ds(o, 16)] = a0 * lo0 + a1 * lo1
                crow[j, pl.ds(64 + o, 16)] = a0 * hi0 + a1 * hi1
            return 0

        lax.fori_loop(0, SUB, edge_body_a, 0)
        pltpu.make_async_copy(gb_hbm.at[dst2.at[p]], grows_b, sem_b).wait()

        @pl.when(nxt < NSUBT)
        def _prefetch_next():
            pltpu.make_async_copy(
                srcE_hbm.at[pl.ds(0, SUB)], src2.at[pn], sem_in).wait()
            pltpu.make_async_copy(
                dstE_hbm.at[pl.ds(0, SUB)], dst2.at[pn], sem_in).wait()
            pltpu.async_copy(w_hbm.at[pl.ds(e0 + nxt * SUB, SUB)], wv, sem_w)
            pltpu.async_copy(invd_hbm.at[src2.at[pn]], ivrows, sem_iv)
            pltpu.async_copy(ga_hbm.at[dst2.at[pn]], grows_a, sem_a)

        def edge_body_b(j, _):
            av = attb[pl.ds(j * 4, 16)]
            a2 = av[2]
            a3 = av[3]
            for wnd in range(4):
                x0 = grows_b[j, 0, pl.ds(wnd * 32, 32)]
                x1 = grows_b[j, 1, pl.ds(wnd * 32, 32)]
                lo0, hi0 = plsc.unpack(x0, format=plsc.PackFormat.INTERLEAVED)
                lo1, hi1 = plsc.unpack(x1, format=plsc.PackFormat.INTERLEAVED)
                o = wnd * 16
                crow[j, pl.ds(o, 16)] = (
                    crow[j, pl.ds(o, 16)] + a2 * lo0 + a3 * lo1)
                crow[j, pl.ds(64 + o, 16)] = (
                    crow[j, pl.ds(64 + o, 16)] + a2 * hi0 + a3 * hi1)
            return 0

        lax.fori_loop(0, SUB, edge_body_b, 0)
        pltpu.sync_copy(crow, acc.at[src2.at[p]], add=True)
        return 0

    lax.fori_loop(0, NSUBT, sub_body, 0)
    plsc.subcore_barrier()
    pltpu.sync_copy(acc.at[pl.ds(s * ROWS_PER_TILE, ROWS_PER_TILE)],
                    opart_hbm.at[c, pl.ds(s * ROWS_PER_TILE, ROWS_PER_TILE)])


def _sc_aggregate(srcE, dstE, w4, invd, ga, gb, zacc):
    mesh = plsc.VectorSubcoreMesh(core_axis_name="c", subcore_axis_name="s")
    f = pl.kernel(
        _sc_aggregate_body,
        out_type=jax.ShapeDtypeStruct((NC, NP, DIM), jnp.float32),
        mesh=mesh,
        scratch_types=[
            pltpu.VMEM((2, SUB), jnp.int32),
            pltpu.VMEM((2, SUB), jnp.int32),
            pltpu.VMEM((SUB, 4), jnp.float32),
            pltpu.VMEM((SUB, DW), jnp.float32),
            pltpu.VMEM((SUB * 4 + 16,), jnp.float32),
            pltpu.VMEM((SUB, 2, DIM), jnp.bfloat16),
            pltpu.VMEM((SUB, 2, DIM), jnp.bfloat16),
            pltpu.VMEM((SUB, DIM), jnp.float32),
            pltpu.VMEM_SHARED((NP, DIM), jnp.float32),
            pltpu.SemaphoreType.DMA,
            pltpu.SemaphoreType.DMA,
            pltpu.SemaphoreType.DMA,
            pltpu.SemaphoreType.DMA,
            pltpu.SemaphoreType.DMA,
        ],
        compiler_params=_SC_PARAMS,
    )
    return f(srcE, dstE, w4, invd, ga, gb, zacc)


def _tc_combine_body(p_ref, o_ref):
    o_ref[...] = p_ref[0] + p_ref[1]


def _tc_combine(opart):
    rows = 2048
    grid = NP // rows
    return pl.pallas_call(
        _tc_combine_body,
        grid=(grid,),
        in_specs=[pl.BlockSpec((NC, rows, DIM), lambda i: (0, i, 0))],
        out_specs=pl.BlockSpec((rows, DIM), lambda i: (i, 0)),
        out_shape=jax.ShapeDtypeStruct((NP, DIM), jnp.float32),
    )(opart)


@jax.jit
def kernel(x, edge_index, W, a):
    wt = jnp.transpose(W, (2, 0, 1)).reshape(DIM, GDIM)
    a_l = a[:, 0, :DIM]
    a_r = a[:, 0, DIM:]
    eye = jnp.eye(HEADS, dtype=jnp.float32)
    al_blk = (a_l[:, :, None] * eye[:, None, :]).reshape(GDIM, HEADS)
    ar_blk = (a_r[:, :, None] * eye[:, None, :]).reshape(GDIM, HEADS)
    a8 = jnp.concatenate([al_blk, ar_blk], axis=1)

    s = jnp.arange(DIM)
    perm = (s // 32) * 16 + (s % 32) // 2 + 64 * (s % 2)
    cperm = (jnp.arange(GDIM) // DIM) * DIM + perm[jnp.arange(GDIM) % DIM]
    wt = wt[:, cperm]
    a8 = a8[cperm]

    srcf = edge_index[0].astype(jnp.int32)
    dstf = edge_index[1].astype(jnp.int32)

    ga, gb, t8 = _tc_prep(x, wt[:, :HGDIM], wt[:, HGDIM:], a8)
    t8f = t8.reshape(N_NODES * 8)
    zden = jnp.zeros((ROWS_PER_TILE, DW), jnp.float32)
    w4, dpart = _sc_edge_scores(srcf, dstf, t8f, zden)
    invd = _tc_invd(dpart)
    zacc = jnp.zeros((ROWS_PER_TILE, DIM), jnp.float32)
    opart = _sc_aggregate(srcf, dstf, w4, invd, ga, gb, zacc)
    return _tc_combine(opart)[:N_NODES]

# --- scband reference (transcript-rebuilt; emitter-appended) ---
"""Pipeline reference for scband-vanilla-gatlayer-51427938402741 (READ-ONLY COPY).

The authoritative reference and input builder live on the scoring server;
editing this copy changes nothing except your own understanding.
"""

import jax, jax.numpy as jnp
import numpy as np

N_NODES = 10000
N_EDGES = 320000
DIM_IN = 128
DIM_OUT = 128
HEADS = 4


def setup_inputs(seed: int = 0) -> dict:
    key = jax.random.key(seed)
    k1, k2, k3, k4 = jax.random.split(key, 4)
    x = jax.random.normal(k1, (N_NODES, DIM_IN), dtype=jnp.float32)
    edge_index = jax.random.randint(k2, (2, N_EDGES), 0, N_NODES, dtype=jnp.int64 if jax.config.read('jax_enable_x64') else jnp.int32)
    # Per-head Linear weights: W[h] has shape [out_features, in_features] (torch Linear convention)
    W = jax.random.normal(k3, (HEADS, DIM_OUT, DIM_IN), dtype=jnp.float32) * 0.05
    # Per-head attention vector: a[h] has shape [1, 2*out_features]
    a = jax.random.normal(k4, (HEADS, 1, 2 * DIM_OUT), dtype=jnp.float32) * 0.05
    return {"x": x, "edge_index": edge_index, "W": W, "a": a}


def _segment_softmax(e, seg, num_segments):
    e_max = jax.ops.segment_max(e, seg, num_segments=num_segments)
    e_exp = jnp.exp(e - e_max[seg])
    denom = jax.ops.segment_sum(e_exp, seg, num_segments=num_segments)
    return e_exp / (denom[seg] + 1e-16)


def reference(x, edge_index, W, a):
    src = edge_index[0]
    dst = edge_index[1]
    n = x.shape[0]
    head_outputs = []
    for h in range(W.shape[0]):
        hfeat = x @ W[h].T  # [N, dim_out]
        x_i = hfeat[src]    # [E, dim_out]
        x_j = hfeat[dst]    # [E, dim_out]
        a_input = jnp.concatenate([x_i, x_j], axis=1)  # [E, 2*dim_out]
        e = jax.nn.leaky_relu(a_input @ a[h].T, negative_slope=0.2)  # [E, 1]
        attention = _segment_softmax(e, src, n)  # [E, 1]
        h_prime = jax.ops.segment_sum(attention * x_j, src, num_segments=n)  # [N, dim_out]
        head_outputs.append(h_prime)
    # concat=False -> mean over heads
    return jnp.mean(jnp.stack(head_outputs), axis=0)

if __name__ == "__main__":
    import jax
    _d = setup_inputs()
    print(jax.jit(kernel)(*tuple(_d.values())))

</pallas_src>

<mosaic_0001>
#map = affine_map<(d0, d1) -> (0)>
#map1 = affine_map<(d0, d1) -> (0, 0)>
#map2 = affine_map<(d0, d1) -> (0, 0, 0)>
module attributes {stable_mosaic.version = 14 : i64} {
  func.func @_sc_aggregate_body(%arg0: i32, %arg1: i32, %arg2: memref<320000xi32, #tpu.memory_space<hbm>>, %arg3: memref<320000xi32, #tpu.memory_space<hbm>>, %arg4: memref<320000x4xf32, #tpu.memory_space<hbm>>, %arg5: memref<10240x16xf32, #tpu.memory_space<hbm>>, %arg6: memref<10000x2x128xbf16, #tpu.memory_space<hbm>>, %arg7: memref<10000x2x128xbf16, #tpu.memory_space<hbm>>, %arg8: memref<640x128xf32, #tpu.memory_space<hbm>>, %arg9: memref<2x10240x128xf32, #tpu.memory_space<hbm>>, %arg10: memref<2x80xi32, #tpu.memory_space<vmem>>, %arg11: memref<2x80xi32, #tpu.memory_space<vmem>>, %arg12: memref<80x4xf32, #tpu.memory_space<vmem>>, %arg13: memref<80x16xf32, #tpu.memory_space<vmem>>, %arg14: memref<336xf32, #tpu.memory_space<vmem>>, %arg15: memref<80x2x128xbf16, #tpu.memory_space<vmem>>, %arg16: memref<80x2x128xbf16, #tpu.memory_space<vmem>>, %arg17: memref<80x128xf32, #tpu.memory_space<vmem>>, %arg18: memref<10240x128xf32, #tpu.memory_space<vmem_shared>>, %arg19: memref<!tpu.dma_semaphore, #tpu.memory_space<semaphore_mem>>, %arg20: memref<!tpu.dma_semaphore, #tpu.memory_space<semaphore_mem>>, %arg21: memref<!tpu.dma_semaphore, #tpu.memory_space<semaphore_mem>>, %arg22: memref<!tpu.dma_semaphore, #tpu.memory_space<semaphore_mem>>, %arg23: memref<!tpu.dma_semaphore, #tpu.memory_space<semaphore_mem>>) attributes {dimension_semantics = [#tpu.dimension_semantics<core_parallel>, #tpu.dimension_semantics<subcore_parallel>], iteration_bounds = array<i64: 2, 16>, scalar_prefetch = 0 : i64, scratch_operands = 14 : i64, tpu.core_type = #tpu.core_type<sc_vector_subcore>, window_params = [{transform_indices = #map}, {transform_indices = #map}, {transform_indices = #map1}, {transform_indices = #map1}, {transform_indices = #map2}, {transform_indices = #map2}, {transform_indices = #map1}, {transform_indices = #map2}]} {
    %mul3A = arith.constant 16 : i32
    %mul3A_0 = arith.muli %arg0, %mul3A : i32
    %add3A = arith.addi %mul3A_0, %arg1 : i32
    %mul3A_1 = arith.constant 10000 : i32
    %mul3A_2 = arith.muli %add3A, %mul3A_1 : i32
    %mul3A_3 = arith.constant 640 : i32
    %mul3A_4 = arith.muli %arg1, %mul3A_3 : i32
    "tpu.region"() ({
      %run_scoped3A_35 = tpu.sem_alloc : memref<!tpu.dma_semaphore, #tpu.memory_space<semaphore_mem>>
      %dma_start3A_36 = arith.constant 0 : i32
      %dma_start3A_37 = tpu.memref_slice %arg18[%mul3A_4, %dma_start3A_36] : memref<10240x128xf32, #tpu.memory_space<vmem_shared>> -> memref<640x128xf32, #tpu.memory_space<vmem_shared>>
      tpu.enqueue_dma source(%arg8 : memref<640x128xf32, #tpu.memory_space<hbm>>) target(%dma_start3A_37 : memref<640x128xf32, #tpu.memory_space<vmem_shared>>) target_semaphore(%run_scoped3A_35 : memref<!tpu.dma_semaphore, #tpu.memory_space<semaphore_mem>>)
      %dma_wait3A = arith.constant 0 : i32
      %dma_wait3A_38 = tpu.memref_slice %arg18[%mul3A_4, %dma_wait3A] : memref<10240x128xf32, #tpu.memory_space<vmem_shared>> -> memref<640x128xf32, #tpu.memory_space<vmem_shared>>
      tpu.wait_dma2 semaphore(%run_scoped3A_35 : memref<!tpu.dma_semaphore, #tpu.memory_space<semaphore_mem>>) src(%arg8 : memref<640x128xf32, #tpu.memory_space<hbm>>) dst(%dma_wait3A_38 : memref<640x128xf32, #tpu.memory_space<vmem_shared>>)
      tpu.yield
    }) : () -> ()
    %barrier3A = arith.constant 0 : index
    tpu.barrier barrier_id(%barrier3A)
    %iota3A = tpu.iota {dimensions = array<i32: 0>} : vector<16xi32>
    %run_scoped3A = arith.constant 0 : i32
    "tpu.region"() ({
      %run_scoped3A_35 = tpu.sem_alloc : memref<!tpu.dma_semaphore, #tpu.memory_space<semaphore_mem>>
      %dma_start3A_36 = arith.constant 0 : i32
      %dma_start3A_37 = tpu.memref_slice %arg10[%run_scoped3A, %dma_start3A_36] : memref<2x80xi32, #tpu.memory_space<vmem>> -> memref<1x80xi32, #tpu.memory_space<vmem>>
      %dma_start3A_38 = tpu.memref_squeeze %dma_start3A_37 : memref<1x80xi32, #tpu.memory_space<vmem>> -> memref<80xi32, #tpu.memory_space<vmem>>
      %dma_start3A_39 = tpu.memref_slice %arg2[%mul3A_2] : memref<320000xi32, #tpu.memory_space<hbm>> -> memref<80xi32, #tpu.memory_space<hbm>>
      %dma_start3A_40 = arith.constant 0 : i32
      %dma_start3A_41 = tpu.memref_slice %arg10[%run_scoped3A, %dma_start3A_40] : memref<2x80xi32, #tpu.memory_space<vmem>> -> memref<1x80xi32, #tpu.memory_space<vmem>>
      %dma_start3A_42 = tpu.memref_squeeze %dma_start3A_41 : memref<1x80xi32, #tpu.memory_space<vmem>> -> memref<80xi32, #tpu.memory_space<vmem>>
      %dma_start3A_43 = tpu.memref_slice %arg2[%mul3A_2] : memref<320000xi32, #tpu.memory_space<hbm>> -> memref<80xi32, #tpu.memory_space<hbm>>
      tpu.enqueue_dma source(%dma_start3A_43 : memref<80xi32, #tpu.memory_space<hbm>>) target(%dma_start3A_42 : memref<80xi32, #tpu.memory_space<vmem>>) target_semaphore(%run_scoped3A_35 : memref<!tpu.dma_semaphore, #tpu.memory_space<semaphore_mem>>)
      %dma_wait3A = arith.constant 0 : i32
      %dma_wait3A_44 = tpu.memref_slice %arg10[%run_scoped3A, %dma_wait3A] : memref<2x80xi32, #tpu.memory_space<vmem>> -> memref<1x80xi32, #tpu.memory_space<vmem>>
      %dma_wait3A_45 = tpu.memref_squeeze %dma_wait3A_44 : memref<1x80xi32, #tpu.memory_space<vmem>> -> memref<80xi32, #tpu.memory_space<vmem>>
      %dma_wait3A_46 = tpu.memref_slice %arg2[%mul3A_2] : memref<320000xi32, #tpu.memory_space<hbm>> -> memref<80xi32, #tpu.memory_space<hbm>>
      %dma_wait3A_47 = arith.constant 0 : i32
      %dma_wait3A_48 = tpu.memref_slice %arg10[%run_scoped3A, %dma_wait3A_47] : memref<2x80xi32, #tpu.memory_space<vmem>> -> memref<1x80xi32, #tpu.memory_space<vmem>>
      %dma_wait3A_49 = tpu.memref_squeeze %dma_wait3A_48 : memref<1x80xi32, #tpu.memory_space<vmem>> -> memref<80xi32, #tpu.memory_space<vmem>>
      %dma_wait3A_50 = tpu.memref_slice %arg2[%mul3A_2] : memref<320000xi32, #tpu.memory_space<hbm>> -> memref<80xi32, #tpu.memory_space<hbm>>
      tpu.wait_dma2 semaphore(%run_scoped3A_35 : memref<!tpu.dma_semaphore, #tpu.memory_space<semaphore_mem>>) src(%dma_wait3A_50 : memref<80xi32, #tpu.memory_space<hbm>>) dst(%dma_wait3A_49 : memref<80xi32, #tpu.memory_space<vmem>>)
      tpu.yield
    }) : () -> ()
    %run_scoped3A_5 = arith.constant 0 : i32
    "tpu.region"() ({
      %run_scoped3A_35 = tpu.sem_alloc : memref<!tpu.dma_semaphore, #tpu.memory_space<semaphore_mem>>
      %dma_start3A_36 = arith.constant 0 : i32
      %dma_start3A_37 = tpu.memref_slice %arg11[%run_scoped3A_5, %dma_start3A_36] : memref<2x80xi32, #tpu.memory_space<vmem>> -> memref<1x80xi32, #tpu.memory_space<vmem>>
      %dma_start3A_38 = tpu.memref_squeeze %dma_start3A_37 : memref<1x80xi32, #tpu.memory_space<vmem>> -> memref<80xi32, #tpu.memory_space<vmem>>
      %dma_start3A_39 = tpu.memref_slice %arg3[%mul3A_2] : memref<320000xi32, #tpu.memory_space<hbm>> -> memref<80xi32, #tpu.memory_space<hbm>>
      %dma_start3A_40 = arith.constant 0 : i32
      %dma_start3A_41 = tpu.memref_slice %arg11[%run_scoped3A_5, %dma_start3A_40] : memref<2x80xi32, #tpu.memory_space<vmem>> -> memref<1x80xi32, #tpu.memory_space<vmem>>
      %dma_start3A_42 = tpu.memref_squeeze %dma_start3A_41 : memref<1x80xi32, #tpu.memory_space<vmem>> -> memref<80xi32, #tpu.memory_space<vmem>>
      %dma_start3A_43 = tpu.memref_slice %arg3[%mul3A_2] : memref<320000xi32, #tpu.memory_space<hbm>> -> memref<80xi32, #tpu.memory_space<hbm>>
      tpu.enqueue_dma source(%dma_start3A_43 : memref<80xi32, #tpu.memory_space<hbm>>) target(%dma_start3A_42 : memref<80xi32, #tpu.memory_space<vmem>>) target_semaphore(%run_scoped3A_35 : memref<!tpu.dma_semaphore, #tpu.memory_space<semaphore_mem>>)
      %dma_wait3A = arith.constant 0 : i32
      %dma_wait3A_44 = tpu.memref_slice %arg11[%run_scoped3A_5, %dma_wait3A] : memref<2x80xi32, #tpu.memory_space<vmem>> -> memref<1x80xi32, #tpu.memory_space<vmem>>
      %dma_wait3A_45 = tpu.memref_squeeze %dma_wait3A_44 : memref<1x80xi32, #tpu.memory_space<vmem>> -> memref<80xi32, #tpu.memory_space<vmem>>
      %dma_wait3A_46 = tpu.memref_slice %arg3[%mul3A_2] : memref<320000xi32, #tpu.memory_space<hbm>> -> memref<80xi32, #tpu.memory_space<hbm>>
      %dma_wait3A_47 = arith.constant 0 : i32
      %dma_wait3A_48 = tpu.memref_slice %arg11[%run_scoped3A_5, %dma_wait3A_47] : memref<2x80xi32, #tpu.memory_space<vmem>> -> memref<1x80xi32, #tpu.memory_space<vmem>>
      %dma_wait3A_49 = tpu.memref_squeeze %dma_wait3A_48 : memref<1x80xi32, #tpu.memory_space<vmem>> -> memref<80xi32, #tpu.memory_space<vmem>>
      %dma_wait3A_50 = tpu.memref_slice %arg3[%mul3A_2] : memref<320000xi32, #tpu.memory_space<hbm>> -> memref<80xi32, #tpu.memory_space<hbm>>
      tpu.wait_dma2 semaphore(%run_scoped3A_35 : memref<!tpu.dma_semaphore, #tpu.memory_space<semaphore_mem>>) src(%dma_wait3A_50 : memref<80xi32, #tpu.memory_space<hbm>>) dst(%dma_wait3A_49 : memref<80xi32, #tpu.memory_space<vmem>>)
      tpu.yield
    }) : () -> ()
    %dma_start3A = arith.constant 0 : i32
    %dma_start3A_6 = tpu.memref_slice %arg4[%mul3A_2, %dma_start3A] : memref<320000x4xf32, #tpu.memory_space<hbm>> -> memref<80x4xf32, #tpu.memory_space<hbm>>
    %dma_start3A_7 = arith.constant 0 : i32
    %dma_start3A_8 = tpu.memref_slice %arg4[%mul3A_2, %dma_start3A_7] : memref<320000x4xf32, #tpu.memory_space<hbm>> -> memref<80x4xf32, #tpu.memory_space<hbm>>
    tpu.enqueue_dma source(%dma_start3A_8 : memref<80x4xf32, #tpu.memory_space<hbm>>) target(%arg12 : memref<80x4xf32, #tpu.memory_space<vmem>>) target_semaphore(%arg20 : memref<!tpu.dma_semaphore, #tpu.memory_space<semaphore_mem>>)
    %dma_start3A_9 = arith.constant 0 : i32
    %dma_start3A_10 = arith.constant 0 : i32
    %dma_start3A_11 = tpu.memref_slice %arg10[%dma_start3A_9, %dma_start3A_10] : memref<2x80xi32, #tpu.memory_space<vmem>> -> memref<1x80xi32, #tpu.memory_space<vmem>>
    %dma_start3A_12 = tpu.memref_squeeze %dma_start3A_11 : memref<1x80xi32, #tpu.memory_space<vmem>> -> memref<80xi32, #tpu.memory_space<vmem>>
    %dma_start3A_13 = arith.constant 0 : i32
    %dma_start3A_14 = arith.constant 0 : i32
    %dma_start3A_15 = tpu.memref_slice %arg5[%dma_start3A_13, %dma_start3A_14] : memref<10240x16xf32, #tpu.memory_space<hbm>> -> memref<10240x16xf32, #tpu.memory_space<hbm>>
    tpu.enqueue_indirect_dma source(%dma_start3A_15 : memref<10240x16xf32, #tpu.memory_space<hbm>>) target(%arg13 : memref<80x16xf32, #tpu.memory_space<vmem>>) offsets(%dma_start3A_12 : memref<80xi32, #tpu.memory_space<vmem>>) semaphore(%arg21 : memref<!tpu.dma_semaphore, #tpu.memory_space<semaphore_mem>>)
    %dma_start3A_16 = arith.constant 0 : i32
    %dma_start3A_17 = arith.constant 0 : i32
    %dma_start3A_18 = tpu.memref_slice %arg11[%dma_start3A_16, %dma_start3A_17] : memref<2x80xi32, #tpu.memory_space<vmem>> -> memref<1x80xi32, #tpu.memory_space<vmem>>
    %dma_start3A_19 = tpu.memref_squeeze %dma_start3A_18 : memref<1x80xi32, #tpu.memory_space<vmem>> -> memref<80xi32, #tpu.memory_space<vmem>>
    %dma_start3A_20 = arith.constant 0 : i32
    %dma_start3A_21 = arith.constant 0 : i32
    %dma_start3A_22 = arith.constant 0 : i32
    %dma_start3A_23 = tpu.memref_slice %arg6[%dma_start3A_20, %dma_start3A_21, %dma_start3A_22] : memref<10000x2x128xbf16, #tpu.memory_space<hbm>> -> memref<10000x2x128xbf16, #tpu.memory_space<hbm>>
    tpu.enqueue_indirect_dma source(%dma_start3A_23 : memref<10000x2x128xbf16, #tpu.memory_space<hbm>>) target(%arg15 : memref<80x2x128xbf16, #tpu.memory_space<vmem>>) offsets(%dma_start3A_19 : memref<80xi32, #tpu.memory_space<vmem>>) semaphore(%arg22 : memref<!tpu.dma_semaphore, #tpu.memory_space<semaphore_mem>>)
    %scan3A = arith.constant 0 : i32
    %scan3A_24 = arith.constant 0 : i32
    %scan3A_25 = arith.constant 125 : i32
    %scan3A_26 = arith.addi %scan3A_24, %scan3A_25 : i32
    %scan3A_27 = arith.constant 1 : i32
    %scan3A_28 = scf.for %scan3A_35 = %scan3A_24 to %scan3A_26 step %scan3A_27 iter_args(%scan3A_36 = %scan3A) -> (i32)  : i32 {
      %rem3A = arith.constant 2 : i32
      %rem3A_37 = arith.remsi %scan3A_35, %rem3A : i32
      %sub3A = arith.constant 1 : i32
      %sub3A_38 = arith.subi %sub3A, %rem3A_37 : i32
      %add3A_39 = arith.constant 1 : i32
      %add3A_40 = arith.addi %scan3A_35, %add3A_39 : i32
      %dma_start3A_41 = arith.constant 0 : i32
      %dma_start3A_42 = tpu.memref_slice %arg11[%rem3A_37, %dma_start3A_41] : memref<2x80xi32, #tpu.memory_space<vmem>> -> memref<1x80xi32, #tpu.memory_space<vmem>>
      %dma_start3A_43 = tpu.memref_squeeze %dma_start3A_42 : memref<1x80xi32, #tpu.memory_space<vmem>> -> memref<80xi32, #tpu.memory_space<vmem>>
      %dma_start3A_44 = arith.constant 0 : i32
      %dma_start3A_45 = arith.constant 0 : i32
      %dma_start3A_46 = arith.constant 0 : i32
      %dma_start3A_47 = tpu.memref_slice %arg7[%dma_start3A_44, %dma_start3A_45, %dma_start3A_46] : memref<10000x2x128xbf16, #tpu.memory_space<hbm>> -> memref<10000x2x128xbf16, #tpu.memory_space<hbm>>
      tpu.enqueue_indirect_dma source(%dma_start3A_47 : memref<10000x2x128xbf16, #tpu.memory_space<hbm>>) target(%arg16 : memref<80x2x128xbf16, #tpu.memory_space<vmem>>) offsets(%dma_start3A_43 : memref<80xi32, #tpu.memory_space<vmem>>) semaphore(%arg23 : memref<!tpu.dma_semaphore, #tpu.memory_space<semaphore_mem>>)
      %lt3A = arith.constant 125 : i32
      %lt3A_48 = arith.cmpi slt, %add3A_40, %lt3A : i32
      %convert_element_type3A = arith.extui %lt3A_48 : i1 to i32
      %cond3A = arith.constant 0 : i32
      %cond3A_49 = arith.cmpi ne, %convert_element_type3A, %cond3A : i32
      scf.if %cond3A_49 {
        %mul3A_328 = arith.constant 80 : i32
        %mul3A_329 = arith.muli %add3A_40, %mul3A_328 : i32
        %add3A_330 = arith.addi %mul3A_2, %mul3A_329 : i32
        %dma_start3A_331 = arith.constant 0 : i32
        %dma_start3A_332 = tpu.memref_slice %arg10[%sub3A_38, %dma_start3A_331] : memref<2x80xi32, #tpu.memory_space<vmem>> -> memref<1x80xi32, #tpu.memory_space<vmem>>
        %dma_start3A_333 = tpu.memref_squeeze %dma_start3A_332 : memref<1x80xi32, #tpu.memory_space<vmem>> -> memref<80xi32, #tpu.memory_space<vmem>>
        %dma_start3A_334 = tpu.memref_slice %arg2[%add3A_330] : memref<320000xi32, #tpu.memory_space<hbm>> -> memref<80xi32, #tpu.memory_space<hbm>>
        %dma_start3A_335 = arith.constant 0 : i32
        %dma_start3A_336 = tpu.memref_slice %arg10[%sub3A_38, %dma_start3A_335] : memref<2x80xi32, #tpu.memory_space<vmem>> -> memref<1x80xi32, #tpu.memory_space<vmem>>
        %dma_start3A_337 = tpu.memref_squeeze %dma_start3A_336 : memref<1x80xi32, #tpu.memory_space<vmem>> -> memref<80xi32, #tpu.memory_space<vmem>>
        %dma_start3A_338 = tpu.memref_slice %arg2[%add3A_330] : memref<320000xi32, #tpu.memory_space<hbm>> -> memref<80xi32, #tpu.memory_space<hbm>>
        tpu.enqueue_dma source(%dma_start3A_338 : memref<80xi32, #tpu.memory_space<hbm>>) target(%dma_start3A_337 : memref<80xi32, #tpu.memory_space<vmem>>) target_semaphore(%arg19 : memref<!tpu.dma_semaphore, #tpu.memory_space<semaphore_mem>>)
        %mul3A_339 = arith.constant 80 : i32
        %mul3A_340 = arith.muli %add3A_40, %mul3A_339 : i32
        %add3A_341 = arith.addi %mul3A_2, %mul3A_340 : i32
        %dma_start3A_342 = arith.constant 0 : i32
        %dma_start3A_343 = tpu.memref_slice %arg11[%sub3A_38, %dma_start3A_342] : memref<2x80xi32, #tpu.memory_space<vmem>> -> memref<1x80xi32, #tpu.memory_space<vmem>>
        %dma_start3A_344 = tpu.memref_squeeze %dma_start3A_343 : memref<1x80xi32, #tpu.memory_space<vmem>> -> memref<80xi32, #tpu.memory_space<vmem>>
        %dma_start3A_345 = tpu.memref_slice %arg3[%add3A_341] : memref<320000xi32, #tpu.memory_space<hbm>> -> memref<80xi32, #tpu.memory_space<hbm>>
        %dma_start3A_346 = arith.constant 0 : i32
        %dma_start3A_347 = tpu.memref_slice %arg11[%sub3A_38, %dma_start3A_346] : memref<2x80xi32, #tpu.memory_space<vmem>> -> memref<1x80xi32, #tpu.memory_space<vmem>>
        %dma_start3A_348 = tpu.memref_squeeze %dma_start3A_347 : memref<1x80xi32, #tpu.memory_space<vmem>> -> memref<80xi32, #tpu.memory_space<vmem>>
        %dma_start3A_349 = tpu.memref_slice %arg3[%add3A_341] : memref<320000xi32, #tpu.memory_space<hbm>> -> memref<80xi32, #tpu.memory_space<hbm>>
        tpu.enqueue_dma source(%dma_start3A_349 : memref<80xi32, #tpu.memory_space<hbm>>) target(%dma_start3A_348 : memref<80xi32, #tpu.memory_space<vmem>>) target_semaphore(%arg19 : memref<!tpu.dma_semaphore, #tpu.memory_space<semaphore_mem>>)
      } else {
      }
      %dma_wait3A = arith.constant 0 : i32
      %dma_wait3A_50 = arith.constant 0 : i32
      %dma_wait3A_51 = tpu.memref_slice %arg4[%dma_wait3A, %dma_wait3A_50] : memref<320000x4xf32, #tpu.memory_space<hbm>> -> memref<80x4xf32, #tpu.memory_space<hbm>>
      %dma_wait3A_52 = arith.constant 0 : i32
      %dma_wait3A_53 = arith.constant 0 : i32
      %dma_wait3A_54 = tpu.memref_slice %arg4[%dma_wait3A_52, %dma_wait3A_53] : memref<320000x4xf32, #tpu.memory_space<hbm>> -> memref<80x4xf32, #tpu.memory_space<hbm>>
      tpu.wait_dma2 semaphore(%arg20 : memref<!tpu.dma_semaphore, #tpu.memory_space<semaphore_mem>>) src(%dma_wait3A_54 : memref<80x4xf32, #tpu.memory_space<hbm>>) dst(%arg12 : memref<80x4xf32, #tpu.memory_space<vmem>>)
      %dma_wait3A_55 = arith.constant 0 : i32
      %dma_wait3A_56 = tpu.memref_slice %arg10[%rem3A_37, %dma_wait3A_55] : memref<2x80xi32, #tpu.memory_space<vmem>> -> memref<1x80xi32, #tpu.memory_space<vmem>>
      %dma_wait3A_57 = tpu.memref_squeeze %dma_wait3A_56 : memref<1x80xi32, #tpu.memory_space<vmem>> -> memref<80xi32, #tpu.memory_space<vmem>>
      %dma_wait3A_58 = arith.constant 0 : i32
      %dma_wait3A_59 = arith.constant 0 : i32
      %dma_wait3A_60 = tpu.memref_slice %arg5[%dma_wait3A_58, %dma_wait3A_59] : memref<10240x16xf32, #tpu.memory_space<hbm>> -> memref<10240x16xf32, #tpu.memory_space<hbm>>
      tpu.wait_indirect_dma semaphore(%arg21 : memref<!tpu.dma_semaphore, #tpu.memory_space<semaphore_mem>>) src(%dma_wait3A_60 : memref<10240x16xf32, #tpu.memory_space<hbm>>) dst(%arg13 : memref<80x16xf32, #tpu.memory_space<vmem>>)
      %add3A_61 = arith.constant 0 : i32
      %add3A_62 = vector.broadcast %add3A_61 : i32 to vector<16xi32>
      %add3A_63 = arith.addi %iota3A, %add3A_62 : vector<16xi32>
      %broadcast_in_dim3A = arith.constant 0 : i32
      %broadcast_in_dim3A_64 = vector.broadcast %broadcast_in_dim3A : i32 to vector<16xi32>
      %gather3A = tpu.vector_load_idx %arg13[%add3A_63, %broadcast_in_dim3A_64] : memref<80x16xf32, #tpu.memory_space<vmem>>[vector<16xi32>, vector<16xi32>], vector<16xf32>,
      %gather3A_65 = tpu.vector_load_idx %arg12[%add3A_63, %broadcast_in_dim3A_64] : memref<80x4xf32, #tpu.memory_space<vmem>>[vector<16xi32>, vector<16xi32>], vector<16xf32>,
      %mul3A_66 = arith.constant 4 : i32
      %mul3A_67 = vector.broadcast %mul3A_66 : i32 to vector<16xi32>
      %mul3A_68 = arith.muli %add3A_63, %mul3A_67 : vector<16xi32>
      %add3A_69 = arith.constant 0 : i32
      %add3A_70 = vector.broadcast %add3A_69 : i32 to vector<16xi32>
      %add3A_71 = arith.addi %mul3A_68, %add3A_70 : vector<16xi32>
      %mul3A_72 = arith.mulf %gather3A, %gather3A_65 : vector<16xf32>
      tpu.vector_store_idx %arg14[%add3A_71], %mul3A_72 : memref<336xf32, #tpu.memory_space<vmem>>[vector<16xi32>], vector<16xf32>,
      %broadcast_in_dim3A_73 = arith.constant 1 : i32
      %broadcast_in_dim3A_74 = vector.broadcast %broadcast_in_dim3A_73 : i32 to vector<16xi32>
      %gather3A_75 = tpu.vector_load_idx %arg13[%add3A_63, %broadcast_in_dim3A_74] : memref<80x16xf32, #tpu.memory_space<vmem>>[vector<16xi32>, vector<16xi32>], vector<16xf32>,
      %gather3A_76 = tpu.vector_load_idx %arg12[%add3A_63, %broadcast_in_dim3A_74] : memref<80x4xf32, #tpu.memory_space<vmem>>[vector<16xi32>, vector<16xi32>], vector<16xf32>,
      %mul3A_77 = arith.constant 4 : i32
      %mul3A_78 = vector.broadcast %mul3A_77 : i32 to vector<16xi32>
      %mul3A_79 = arith.muli %add3A_63, %mul3A_78 : vector<16xi32>
      %add3A_80 = arith.constant 1 : i32
      %add3A_81 = vector.broadcast %add3A_80 : i32 to vector<16xi32>
      %add3A_82 = arith.addi %mul3A_79, %add3A_81 : vector<16xi32>
      %mul3A_83 = arith.mulf %gather3A_75, %gather3A_76 : vector<16xf32>
      tpu.vector_store_idx %arg14[%add3A_82], %mul3A_83 : memref<336xf32, #tpu.memory_space<vmem>>[vector<16xi32>], vector<16xf32>,
      %broadcast_in_dim3A_84 = arith.constant 2 : i32
      %broadcast_in_dim3A_85 = vector.broadcast %broadcast_in_dim3A_84 : i32 to vector<16xi32>
      %gather3A_86 = tpu.vector_load_idx %arg13[%add3A_63, %broadcast_in_dim3A_85] : memref<80x16xf32, #tpu.memory_space<vmem>>[vector<16xi32>, vector<16xi32>], vector<16xf32>,
      %gather3A_87 = tpu.vector_load_idx %arg12[%add3A_63, %broadcast_in_dim3A_85] : memref<80x4xf32, #tpu.memory_space<vmem>>[vector<16xi32>, vector<16xi32>], vector<16xf32>,
      %mul3A_88 = arith.constant 4 : i32
      %mul3A_89 = vector.broadcast %mul3A_88 : i32 to vector<16xi32>
      %mul3A_90 = arith.muli %add3A_63, %mul3A_89 : vector<16xi32>
      %add3A_91 = arith.constant 2 : i32
      %add3A_92 = vector.broadcast %add3A_91 : i32 to vector<16xi32>
      %add3A_93 = arith.addi %mul3A_90, %add3A_92 : vector<16xi32>
      %mul3A_94 = arith.mulf %gather3A_86, %gather3A_87 : vector<16xf32>
      tpu.vector_store_idx %arg14[%add3A_93], %mul3A_94 : memref<336xf32, #tpu.memory_space<vmem>>[vector<16xi32>], vector<16xf32>,
      %broadcast_in_dim3A_95 = arith.constant 3 : i32
      %broadcast_in_dim3A_96 = vector.broadcast %broadcast_in_dim3A_95 : i32 to vector<16xi32>
      %gather3A_97 = tpu.vector_load_idx %arg13[%add3A_63, %broadcast_in_dim3A_96] : memref<80x16xf32, #tpu.memory_space<vmem>>[vector<16xi32>, vector<16xi32>], vector<16xf32>,
      %gather3A_98 = tpu.vector_load_idx %arg12[%add3A_63, %broadcast_in_dim3A_96] : memref<80x4xf32, #tpu.memory_space<vmem>>[vector<16xi32>, vector<16xi32>], vector<16xf32>,
      %mul3A_99 = arith.constant 4 : i32
      %mul3A_100 = vector.broadcast %mul3A_99 : i32 to vector<16xi32>
      %mul3A_101 = arith.muli %add3A_63, %mul3A_100 : vector<16xi32>
      %add3A_102 = arith.constant 3 : i32
      %add3A_103 = vector.broadcast %add3A_102 : i32 to vector<16xi32>
      %add3A_104 = arith.addi %mul3A_101, %add3A_103 : vector<16xi32>
      %mul3A_105 = arith.mulf %gather3A_97, %gather3A_98 : vector<16xf32>
      tpu.vector_store_idx %arg14[%add3A_104], %mul3A_105 : memref<336xf32, #tpu.memory_space<vmem>>[vector<16xi32>], vector<16xf32>,
      %add3A_106 = arith.constant 16 : i32
      %add3A_107 = vector.broadcast %add3A_106 : i32 to vector<16xi32>
      %add3A_108 = arith.addi %iota3A, %add3A_107 : vector<16xi32>
      %broadcast_in_dim3A_109 = arith.constant 0 : i32
      %broadcast_in_dim3A_110 = vector.broadcast %broadcast_in_dim3A_109 : i32 to vector<16xi32>
      %gather3A_111 = tpu.vector_load_idx %arg13[%add3A_108, %broadcast_in_dim3A_110] : memref<80x16xf32, #tpu.memory_space<vmem>>[vector<16xi32>, vector<16xi32>], vector<16xf32>,
      %gather3A_112 = tpu.vector_load_idx %arg12[%add3A_108, %broadcast_in_dim3A_110] : memref<80x4xf32, #tpu.memory_space<vmem>>[vector<16xi32>, vector<16xi32>], vector<16xf32>,
      %mul3A_113 = arith.constant 4 : i32
      %mul3A_114 = vector.broadcast %mul3A_113 : i32 to vector<16xi32>
      %mul3A_115 = arith.muli %add3A_108, %mul3A_114 : vector<16xi32>
      %add3A_116 = arith.constant 0 : i32
      %add3A_117 = vector.broadcast %add3A_116 : i32 to vector<16xi32>
      %add3A_118 = arith.addi %mul3A_115, %add3A_117 : vector<16xi32>
      %mul3A_119 = arith.mulf %gather3A_111, %gather3A_112 : vector<16xf32>
      tpu.vector_store_idx %arg14[%add3A_118], %mul3A_119 : memref<336xf32, #tpu.memory_space<vmem>>[vector<16xi32>], vector<16xf32>,
      %broadcast_in_dim3A_120 = arith.constant 1 : i32
      %broadcast_in_dim3A_121 = vector.broadcast %broadcast_in_dim3A_120 : i32 to vector<16xi32>
      %gather3A_122 = tpu.vector_load_idx %arg13[%add3A_108, %broadcast_in_dim3A_121] : memref<80x16xf32, #tpu.memory_space<vmem>>[vector<16xi32>, vector<16xi32>], vector<16xf32>,
      %gather3A_123 = tpu.vector_load_idx %arg12[%add3A_108, %broadcast_in_dim3A_121] : memref<80x4xf32, #tpu.memory_space<vmem>>[vector<16xi32>, vector<16xi32>], vector<16xf32>,
      %mul3A_124 = arith.constant 4 : i32
      %mul3A_125 = vector.broadcast %mul3A_124 : i32 to vector<16xi32>
      %mul3A_126 = arith.muli %add3A_108, %mul3A_125 : vector<16xi32>
      %add3A_127 = arith.constant 1 : i32
      %add3A_128 = vector.broadcast %add3A_127 : i32 to vector<16xi32>
      %add3A_129 = arith.addi %mul3A_126, %add3A_128 : vector<16xi32>
      %mul3A_130 = arith.mulf %gather3A_122, %gather3A_123 : vector<16xf32>
      tpu.vector_store_idx %arg14[%add3A_129], %mul3A_130 : memref<336xf32, #tpu.memory_space<vmem>>[vector<16xi32>], vector<16xf32>,
      %broadcast_in_dim3A_131 = arith.constant 2 : i32
      %broadcast_in_dim3A_132 = vector.broadcast %broadcast_in_dim3A_131 : i32 to vector<16xi32>
      %gather3A_133 = tpu.vector_load_idx %arg13[%add3A_108, %broadcast_in_dim3A_132] : memref<80x16xf32, #tpu.memory_space<vmem>>[vector<16xi32>, vector<16xi32>], vector<16xf32>,
      %gather3A_134 = tpu.vector_load_idx %arg12[%add3A_108, %broadcast_in_dim3A_132] : memref<80x4xf32, #tpu.memory_space<vmem>>[vector<16xi32>, vector<16xi32>], vector<16xf32>,
      %mul3A_135 = arith.constant 4 : i32
      %mul3A_136 = vector.broadcast %mul3A_135 : i32 to vector<16xi32>
      %mul3A_137 = arith.muli %add3A_108, %mul3A_136 : vector<16xi32>
      %add3A_138 = arith.constant 2 : i32
      %add3A_139 = vector.broadcast %add3A_138 : i32 to vector<16xi32>
      %add3A_140 = arith.addi %mul3A_137, %add3A_139 : vector<16xi32>
      %mul3A_141 = arith.mulf %gather3A_133, %gather3A_134 : vector<16xf32>
      tpu.vector_store_idx %arg14[%add3A_140], %mul3A_141 : memref<336xf32, #tpu.memory_space<vmem>>[vector<16xi32>], vector<16xf32>,
      %broadcast_in_dim3A_142 = arith.constant 3 : i32
      %broadcast_in_dim3A_143 = vector.broadcast %broadcast_in_dim3A_142 : i32 to vector<16xi32>
      %gather3A_144 = tpu.vector_load_idx %arg13[%add3A_108, %broadcast_in_dim3A_143] : memref<80x16xf32, #tpu.memory_space<vmem>>[vector<16xi32>, vector<16xi32>], vector<16xf32>,
      %gather3A_145 = tpu.vector_load_idx %arg12[%add3A_108, %broadcast_in_dim3A_143] : memref<80x4xf32, #tpu.memory_space<vmem>>[vector<16xi32>, vector<16xi32>], vector<16xf32>,
      %mul3A_146 = arith.constant 4 : i32
      %mul3A_147 = vector.broadcast %mul3A_146 : i32 to vector<16xi32>
      %mul3A_148 = arith.muli %add3A_108, %mul3A_147 : vector<16xi32>
      %add3A_149 = arith.constant 3 : i32
      %add3A_150 = vector.broadcast %add3A_149 : i32 to vector<16xi32>
      %add3A_151 = arith.addi %mul3A_148, %add3A_150 : vector<16xi32>
      %mul3A_152 = arith.mulf %gather3A_144, %gather3A_145 : vector<16xf32>
      tpu.vector_store_idx %arg14[%add3A_151], %mul3A_152 : memref<336xf32, #tpu.memory_space<vmem>>[vector<16xi32>], vector<16xf32>,
      %add3A_153 = arith.constant 32 : i32
      %add3A_154 = vector.broadcast %add3A_153 : i32 to vector<16xi32>
      %add3A_155 = arith.addi %iota3A, %add3A_154 : vector<16xi32>
      %broadcast_in_dim3A_156 = arith.constant 0 : i32
      %broadcast_in_dim3A_157 = vector.broadcast %broadcast_in_dim3A_156 : i32 to vector<16xi32>
      %gather3A_158 = tpu.vector_load_idx %arg13[%add3A_155, %broadcast_in_dim3A_157] : memref<80x16xf32, #tpu.memory_space<vmem>>[vector<16xi32>, vector<16xi32>], vector<16xf32>,
      %gather3A_159 = tpu.vector_load_idx %arg12[%add3A_155, %broadcast_in_dim3A_157] : memref<80x4xf32, #tpu.memory_space<vmem>>[vector<16xi32>, vector<16xi32>], vector<16xf32>,
      %mul3A_160 = arith.constant 4 : i32
      %mul3A_161 = vector.broadcast %mul3A_160 : i32 to vector<16xi32>
      %mul3A_162 = arith.muli %add3A_155, %mul3A_161 : vector<16xi32>
      %add3A_163 = arith.constant 0 : i32
      %add3A_164 = vector.broadcast %add3A_163 : i32 to vector<16xi32>
      %add3A_165 = arith.addi %mul3A_162, %add3A_164 : vector<16xi32>
      %mul3A_166 = arith.mulf %gather3A_158, %gather3A_159 : vector<16xf32>
      tpu.vector_store_idx %arg14[%add3A_165], %mul3A_166 : memref<336xf32, #tpu.memory_space<vmem>>[vector<16xi32>], vector<16xf32>,
      %broadcast_in_dim3A_167 = arith.constant 1 : i32
      %broadcast_in_dim3A_168 = vector.broadcast %broadcast_in_dim3A_167 : i32 to vector<16xi32>
      %gather3A_169 = tpu.vector_load_idx %arg13[%add3A_155, %broadcast_in_dim3A_168] : memref<80x16xf32, #tpu.memory_space<vmem>>[vector<16xi32>, vector<16xi32>], vector<16xf32>,
      %gather3A_170 = tpu.vector_load_idx %arg12[%add3A_155, %broadcast_in_dim3A_168] : memref<80x4xf32, #tpu.memory_space<vmem>>[vector<16xi32>, vector<16xi32>], vector<16xf32>,
      %mul3A_171 = arith.constant 4 : i32
      %mul3A_172 = vector.broadcast %mul3A_171 : i32 to vector<16xi32>
      %mul3A_173 = arith.muli %add3A_155, %mul3A_172 : vector<16xi32>
      %add3A_174 = arith.constant 1 : i32
      %add3A_175 = vector.broadcast %add3A_174 : i32 to vector<16xi32>
      %add3A_176 = arith.addi %mul3A_173, %add3A_175 : vector<16xi32>
      %mul3A_177 = arith.mulf %gather3A_169, %gather3A_170 : vector<16xf32>
      tpu.vector_store_idx %arg14[%add3A_176], %mul3A_177 : memref<336xf32, #tpu.memory_space<vmem>>[vector<16xi32>], vector<16xf32>,
      %broadcast_in_dim3A_178 = arith.constant 2 : i32
      %broadcast_in_dim3A_179 = vector.broadcast %broadcast_in_dim3A_178 : i32 to vector<16xi32>
      %gather3A_180 = tpu.vector_load_idx %arg13[%add3A_155, %broadcast_in_dim3A_179] : memref<80x16xf32, #tpu.memory_space<vmem>>[vector<16xi32>, vector<16xi32>], vector<16xf32>,
      %gather3A_181 = tpu.vector_load_idx %arg12[%add3A_155, %broadcast_in_dim3A_179] : memref<80x4xf32, #tpu.memory_space<vmem>>[vector<16xi32>, vector<16xi32>], vector<16xf32>,
      %mul3A_182 = arith.constant 4 : i32
      %mul3A_183 = vector.broadcast %mul3A_182 : i32 to vector<16xi32>
      %mul3A_184 = arith.muli %add3A_155, %mul3A_183 : vector<16xi32>
      %add3A_185 = arith.constant 2 : i32
      %add3A_186 = vector.broadcast %add3A_185 : i32 to vector<16xi32>
      %add3A_187 = arith.addi %mul3A_184, %add3A_186 : vector<16xi32>
      %mul3A_188 = arith.mulf %gather3A_180, %gather3A_181 : vector<16xf32>
      tpu.vector_store_idx %arg14[%add3A_187], %mul3A_188 : memref<336xf32, #tpu.memory_space<vmem>>[vector<16xi32>], vector<16xf32>,
      %broadcast_in_dim3A_189 = arith.constant 3 : i32
      %broadcast_in_dim3A_190 = vector.broadcast %broadcast_in_dim3A_189 : i32 to vector<16xi32>
      %gather3A_191 = tpu.vector_load_idx %arg13[%add3A_155, %broadcast_in_dim3A_190] : memref<80x16xf32, #tpu.memory_space<vmem>>[vector<16xi32>, vector<16xi32>], vector<16xf32>,
      %gather3A_192 = tpu.vector_load_idx %arg12[%add3A_155, %broadcast_in_dim3A_190] : memref<80x4xf32, #tpu.memory_space<vmem>>[vector<16xi32>, vector<16xi32>], vector<16xf32>,
      %mul3A_193 = arith.constant 4 : i32
      %mul3A_194 = vector.broadcast %mul3A_193 : i32 to vector<16xi32>
      %mul3A_195 = arith.muli %add3A_155, %mul3A_194 : vector<16xi32>
      %add3A_196 = arith.constant 3 : i32
      %add3A_197 = vector.broadcast %add3A_196 : i32 to vector<16xi32>
      %add3A_198 = arith.addi %mul3A_195, %add3A_197 : vector<16xi32>
      %mul3A_199 = arith.mulf %gather3A_191, %gather3A_192 : vector<16xf32>
      tpu.vector_store_idx %arg14[%add3A_198], %mul3A_199 : memref<336xf32, #tpu.memory_space<vmem>>[vector<16xi32>], vector<16xf32>,
      %add3A_200 = arith.constant 48 : i32
      %add3A_201 = vector.broadcast %add3A_200 : i32 to vector<16xi32>
      %add3A_202 = arith.addi %iota3A, %add3A_201 : vector<16xi32>
      %broadcast_in_dim3A_203 = arith.constant 0 : i32
      %broadcast_in_dim3A_204 = vector.broadcast %broadcast_in_dim3A_203 : i32 to vector<16xi32>
      %gather3A_205 = tpu.vector_load_idx %arg13[%add3A_202, %broadcast_in_dim3A_204] : memref<80x16xf32, #tpu.memory_space<vmem>>[vector<16xi32>, vector<16xi32>], vector<16xf32>,
      %gather3A_206 = tpu.vector_load_idx %arg12[%add3A_202, %broadcast_in_dim3A_204] : memref<80x4xf32, #tpu.memory_space<vmem>>[vector<16xi32>, vector<16xi32>], vector<16xf32>,
      %mul3A_207 = arith.constant 4 : i32
      %mul3A_208 = vector.broadcast %mul3A_207 : i32 to vector<16xi32>
      %mul3A_209 = arith.muli %add3A_202, %mul3A_208 : vector<16xi32>
      %add3A_210 = arith.constant 0 : i32
      %add3A_211 = vector.broadcast %add3A_210 : i32 to vector<16xi32>
      %add3A_212 = arith.addi %mul3A_209, %add3A_211 : vector<16xi32>
      %mul3A_213 = arith.mulf %gather3A_205, %gather3A_206 : vector<16xf32>
      tpu.vector_store_idx %arg14[%add3A_212], %mul3A_213 : memref<336xf32, #tpu.memory_space<vmem>>[vector<16xi32>], vector<16xf32>,
      %broadcast_in_dim3A_214 = arith.constant 1 : i32
      %broadcast_in_dim3A_215 = vector.broadcast %broadcast_in_dim3A_214 : i32 to vector<16xi32>
      %gather3A_216 = tpu.vector_load_idx %arg13[%add3A_202, %broadcast_in_dim3A_215] : memref<80x16xf32, #tpu.memory_space<vmem>>[vector<16xi32>, vector<16xi32>], vector<16xf32>,
      %gather3A_217 = tpu.vector_load_idx %arg12[%add3A_202, %broadcast_in_dim3A_215] : memref<80x4xf32, #tpu.memory_space<vmem>>[vector<16xi32>, vector<16xi32>], vector<16xf32>,
      %mul3A_218 = arith.constant 4 : i32
      %mul3A_219 = vector.broadcast %mul3A_218 : i32 to vector<16xi32>
      %mul3A_220 = arith.muli %add3A_202, %mul3A_219 : vector<16xi32>
      %add3A_221 = arith.constant 1 : i32
      %add3A_222 = vector.broadcast %add3A_221 : i32 to vector<16xi32>
      %add3A_223 = arith.addi %mul3A_220, %add3A_222 : vector<16xi32>
      %mul3A_224 = arith.mulf %gather3A_216, %gather3A_217 : vector<16xf32>
      tpu.vector_store_idx %arg14[%add3A_223], %mul3A_224 : memref<336xf32, #tpu.memory_space<vmem>>[vector<16xi32>], vector<16xf32>,
      %broadcast_in_dim3A_225 = arith.constant 2 : i32
      %broadcast_in_dim3A_226 = vector.broadcast %broadcast_in_dim3A_225 : i32 to vector<16xi32>
      %gather3A_227 = tpu.vector_load_idx %arg13[%add3A_202, %broadcast_in_dim3A_226] : memref<80x16xf32, #tpu.memory_space<vmem>>[vector<16xi32>, vector<16xi32>], vector<16xf32>,
      %gather3A_228 = tpu.vector_load_idx %arg12[%add3A_202, %broadcast_in_dim3A_226] : memref<80x4xf32, #tpu.memory_space<vmem>>[vector<16xi32>, vector<16xi32>], vector<16xf32>,
      %mul3A_229 = arith.constant 4 : i32
      %mul3A_230 = vector.broadcast %mul3A_229 : i32 to vector<16xi32>
      %mul3A_231 = arith.muli %add3A_202, %mul3A_230 : vector<16xi32>
      %add3A_232 = arith.constant 2 : i32
      %add3A_233 = vector.broadcast %add3A_232 : i32 to vector<16xi32>
      %add3A_234 = arith.addi %mul3A_231, %add3A_233 : vector<16xi32>
      %mul3A_235 = arith.mulf %gather3A_227, %gather3A_228 : vector<16xf32>
      tpu.vector_store_idx %arg14[%add3A_234], %mul3A_235 : memref<336xf32, #tpu.memory_space<vmem>>[vector<16xi32>], vector<16xf32>,
      %broadcast_in_dim3A_236 = arith.constant 3 : i32
      %broadcast_in_dim3A_237 = vector.broadcast %broadcast_in_dim3A_236 : i32 to vector<16xi32>
      %gather3A_238 = tpu.vector_load_idx %arg13[%add3A_202, %broadcast_in_dim3A_237] : memref<80x16xf32, #tpu.memory_space<vmem>>[vector<16xi32>, vector<16xi32>], vector<16xf32>,
      %gather3A_239 = tpu.vector_load_idx %arg12[%add3A_202, %broadcast_in_dim3A_237] : memref<80x4xf32, #tpu.memory_space<vmem>>[vector<16xi32>, vector<16xi32>], vector<16xf32>,
      %mul3A_240 = arith.constant 4 : i32
      %mul3A_241 = vector.broadcast %mul3A_240 : i32 to vector<16xi32>
      %mul3A_242 = arith.muli %add3A_202, %mul3A_241 : vector<16xi32>
      %add3A_243 = arith.constant 3 : i32
      %add3A_244 = vector.broadcast %add3A_243 : i32 to vector<16xi32>
      %add3A_245 = arith.addi %mul3A_242, %add3A_244 : vector<16xi32>
      %mul3A_246 = arith.mulf %gather3A_238, %gather3A_239 : vector<16xf32>
      tpu.vector_store_idx %arg14[%add3A_245], %mul3A_246 : memref<336xf32, #tpu.memory_space<vmem>>[vector<16xi32>], vector<16xf32>,
      %add3A_247 = arith.constant 64 : i32
      %add3A_248 = vector.broadcast %add3A_247 : i32 to vector<16xi32>
      %add3A_249 = arith.addi %iota3A, %add3A_248 : vector<16xi32>
      %broadcast_in_dim3A_250 = arith.constant 0 : i32
      %broadcast_in_dim3A_251 = vector.broadcast %broadcast_in_dim3A_250 : i32 to vector<16xi32>
      %gather3A_252 = tpu.vector_load_idx %arg13[%add3A_249, %broadcast_in_dim3A_251] : memref<80x16xf32, #tpu.memory_space<vmem>>[vector<16xi32>, vector<16xi32>], vector<16xf32>,
      %gather3A_253 = tpu.vector_load_idx %arg12[%add3A_249, %broadcast_in_dim3A_251] : memref<80x4xf32, #tpu.memory_space<vmem>>[vector<16xi32>, vector<16xi32>], vector<16xf32>,
      %mul3A_254 = arith.constant 4 : i32
      %mul3A_255 = vector.broadcast %mul3A_254 : i32 to vector<16xi32>
      %mul3A_256 = arith.muli %add3A_249, %mul3A_255 : vector<16xi32>
      %add3A_257 = arith.constant 0 : i32
      %add3A_258 = vector.broadcast %add3A_257 : i32 to vector<16xi32>
      %add3A_259 = arith.addi %mul3A_256, %add3A_258 : vector<16xi32>
      %mul3A_260 = arith.mulf %gather3A_252, %gather3A_253 : vector<16xf32>
      tpu.vector_store_idx %arg14[%add3A_259], %mul3A_260 : memref<336xf32, #tpu.memory_space<vmem>>[vector<16xi32>], vector<16xf32>,
      %broadcast_in_dim3A_261 = arith.constant 1 : i32
      %broadcast_in_dim3A_262 = vector.broadcast %broadcast_in_dim3A_261 : i32 to vector<16xi32>
      %gather3A_263 = tpu.vector_load_idx %arg13[%add3A_249, %broadcast_in_dim3A_262] : memref<80x16xf32, #tpu.memory_space<vmem>>[vector<16xi32>, vector<16xi32>], vector<16xf32>,
      %gather3A_264 = tpu.vector_load_idx %arg12[%add3A_249, %broadcast_in_dim3A_262] : memref<80x4xf32, #tpu.memory_space<vmem>>[vector<16xi32>, vector<16xi32>], vector<16xf32>,
      %mul3A_265 = arith.constant 4 : i32
      %mul3A_266 = vector.broadcast %mul3A_265 : i32 to vector<16xi32>
      %mul3A_267 = arith.muli %add3A_249, %mul3A_266 : vector<16xi32>
      %add3A_268 = arith.constant 1 : i32
      %add3A_269 = vector.broadcast %add3A_268 : i32 to vector<16xi32>
      %add3A_270 = arith.addi %mul3A_267, %add3A_269 : vector<16xi32>
      %mul3A_271 = arith.mulf %gather3A_263, %gather3A_264 : vector<16xf32>
      tpu.vector_store_idx %arg14[%add3A_270], %mul3A_271 : memref<336xf32, #tpu.memory_space<vmem>>[vector<16xi32>], vector<16xf32>,
      %broadcast_in_dim3A_272 = arith.constant 2 : i32
      %broadcast_in_dim3A_273 = vector.broadcast %broadcast_in_dim3A_272 : i32 to vector<16xi32>
      %gather3A_274 = tpu.vector_load_idx %arg13[%add3A_249, %broadcast_in_dim3A_273] : memref<80x16xf32, #tpu.memory_space<vmem>>[vector<16xi32>, vector<16xi32>], vector<16xf32>,
      %gather3A_275 = tpu.vector_load_idx %arg12[%add3A_249, %broadcast_in_dim3A_273] : memref<80x4xf32, #tpu.memory_space<vmem>>[vector<16xi32>, vector<16xi32>], vector<16xf32>,
      %mul3A_276 = arith.constant 4 : i32
      %mul3A_277 = vector.broadcast %mul3A_276 : i32 to vector<16xi32>
      %mul3A_278 = arith.muli %add3A_249, %mul3A_277 : vector<16xi32>
      %add3A_279 = arith.constant 2 : i32
      %add3A_280 = vector.broadcast %add3A_279 : i32 to vector<16xi32>
      %add3A_281 = arith.addi %mul3A_278, %add3A_280 : vector<16xi32>
      %mul3A_282 = arith.mulf %gather3A_274, %gather3A_275 : vector<16xf32>
      tpu.vector_store_idx %arg14[%add3A_281], %mul3A_282 : memref<336xf32, #tpu.memory_space<vmem>>[vector<16xi32>], vector<16xf32>,
      %broadcast_in_dim3A_283 = arith.constant 3 : i32
      %broadcast_in_dim3A_284 = vector.broadcast %broadcast_in_dim3A_283 : i32 to vector<16xi32>
      %gather3A_285 = tpu.vector_load_idx %arg13[%add3A_249, %broadcast_in_dim3A_284] : memref<80x16xf32, #tpu.memory_space<vmem>>[vector<16xi32>, vector<16xi32>], vector<16xf32>,
      %gather3A_286 = tpu.vector_load_idx %arg12[%add3A_249, %broadcast_in_dim3A_284] : memref<80x4xf32, #tpu.memory_space<vmem>>[vector<16xi32>, vector<16xi32>], vector<16xf32>,
      %mul3A_287 = arith.constant 4 : i32
      %mul3A_288 = vector.broadcast %mul3A_287 : i32 to vector<16xi32>
      %mul3A_289 = arith.muli %add3A_249, %mul3A_288 : vector<16xi32>
      %add3A_290 = arith.constant 3 : i32
      %add3A_291 = vector.broadcast %add3A_290 : i32 to vector<16xi32>
      %add3A_292 = arith.addi %mul3A_289, %add3A_291 : vector<16xi32>
      %mul3A_293 = arith.mulf %gather3A_285, %gather3A_286 : vector<16xf32>
      tpu.vector_store_idx %arg14[%add3A_292], %mul3A_293 : memref<336xf32, #tpu.memory_space<vmem>>[vector<16xi32>], vector<16xf32>,
      %dma_wait3A_294 = arith.constant 0 : i32
      %dma_wait3A_295 = tpu.memref_slice %arg11[%rem3A_37, %dma_wait3A_294] : memref<2x80xi32, #tpu.memory_space<vmem>> -> memref<1x80xi32, #tpu.memory_space<vmem>>
      %dma_wait3A_296 = tpu.memref_squeeze %dma_wait3A_295 : memref<1x80xi32, #tpu.memory_space<vmem>> -> memref<80xi32, #tpu.memory_space<vmem>>
      %dma_wait3A_297 = arith.constant 0 : i32
      %dma_wait3A_298 = arith.constant 0 : i32
      %dma_wait3A_299 = arith.constant 0 : i32
      %dma_wait3A_300 = tpu.memref_slice %arg6[%dma_wait3A_297, %dma_wait3A_298, %dma_wait3A_299] : memref<10000x2x128xbf16, #tpu.memory_space<hbm>> -> memref<10000x2x128xbf16, #tpu.memory_space<hbm>>
      tpu.wait_indirect_dma semaphore(%arg22 : memref<!tpu.dma_semaphore, #tpu.memory_space<semaphore_mem>>) src(%dma_wait3A_300 : memref<10000x2x128xbf16, #tpu.memory_space<hbm>>) dst(%arg15 : memref<80x2x128xbf16, #tpu.memory_space<vmem>>)
      %scan3A_301 = arith.constant 0 : i32
      %scan3A_302 = arith.constant 0 : i32
      %scan3A_303 = arith.constant 80 : i32
      %scan3A_304 = arith.addi %scan3A_302, %scan3A_303 : i32
      %scan3A_305 = arith.constant 1 : i32
      %scan3A_306 = scf.for %scan3A_328 = %scan3A_302 to %scan3A_304 step %scan3A_305 iter_args(%scan3A_329 = %scan3A_301) -> (i32)  : i32 {
        %mul3A_330 = arith.constant 4 : i32
        %mul3A_331 = arith.muli %scan3A_328, %mul3A_330 : i32
        %get3A = arith.index_cast %mul3A_331 : i32 to index
        %get3A_332 = tpu.vector_load %arg14[%get3A] {strides = array<i32>} : memref<336xf32, #tpu.memory_space<vmem>>, vector<16xf32>,
        %slice3A = vector.extract_strided_slice %get3A_332 {offsets = [0], sizes = [1], strides = [1]} : vector<16xf32> to vector<1xf32>
        %squeeze3A = vector.extract %slice3A[0] : f32 from vector<1xf32>
        %slice3A_333 = vector.extract_strided_slice %get3A_332 {offsets = [1], sizes = [1], strides = [1]} : vector<16xf32> to vector<1xf32>
        %squeeze3A_334 = vector.extract %slice3A_333[0] : f32 from vector<1xf32>
        %get3A_335 = arith.constant 0 : i32
        %get3A_336 = arith.index_cast %scan3A_328 : i32 to index
        %get3A_337 = arith.index_cast %get3A_335 : i32 to index
        %get3A_338 = arith.constant 0 : index
        %get3A_339 = tpu.vector_load %arg15[%get3A_336, %get3A_337, %get3A_338] {strides = array<i32>} : memref<80x2x128xbf16, #tpu.memory_space<vmem>>, vector<32xbf16>,
        %get3A_340 = arith.constant 1 : i32
        %get3A_341 = arith.index_cast %scan3A_328 : i32 to index
        %get3A_342 = arith.index_cast %get3A_340 : i32 to index
        %get3A_343 = arith.constant 0 : index
        %get3A_344 = tpu.vector_load %arg15[%get3A_341, %get3A_342, %get3A_343] {strides = array<i32>} : memref<80x2x128xbf16, #tpu.memory_space<vmem>>, vector<32xbf16>,
        %unpack3A = tpu.unpack_subelements %get3A_339, 0 {pack_format = #tpu.pack_format<interleaved>} : vector<32xbf16> -> vector<16xf32>
        %unpack3A_345 = tpu.unpack_subelements %get3A_339, 1 {pack_format = #tpu.pack_format<interleaved>} : vector<32xbf16> -> vector<16xf32>
        %unpack3A_346 = tpu.unpack_subelements %get3A_344, 0 {pack_format = #tpu.pack_format<interleaved>} : vector<32xbf16> -> vector<16xf32>
        %unpack3A_347 = tpu.unpack_subelements %get3A_344, 1 {pack_format = #tpu.pack_format<interleaved>} : vector<32xbf16> -> vector<16xf32>
        %mul3A_348 = vector.broadcast %squeeze3A : f32 to vector<16xf32>
        %mul3A_349 = arith.mulf %mul3A_348, %unpack3A : vector<16xf32>
        %mul3A_350 = vector.broadcast %squeeze3A_334 : f32 to vector<16xf32>
        %mul3A_351 = arith.mulf %mul3A_350, %unpack3A_346 : vector<16xf32>
        %add3A_352 = arith.addf %mul3A_349, %mul3A_351 : vector<16xf32>
        %swap3A = arith.index_cast %scan3A_328 : i32 to index
        %swap3A_353 = arith.constant 0 : index
        %swap3A_354 = tpu.vector_load %arg17[%swap3A, %swap3A_353] {strides = array<i32>} : memref<80x128xf32, #tpu.memory_space<vmem>>, vector<16xf32>,
        tpu.vector_store %arg17[%swap3A, %swap3A_353], %add3A_352 {strides = array<i32>} : memref<80x128xf32, #tpu.memory_space<vmem>>, vector<16xf32>,
        %mul3A_355 = vector.broadcast %squeeze3A : f32 to vector<16xf32>
        %mul3A_356 = arith.mulf %mul3A_355, %unpack3A_345 : vector<16xf32>
        %mul3A_357 = vector.broadcast %squeeze3A_334 : f32 to vector<16xf32>
        %mul3A_358 = arith.mulf %mul3A_357, %unpack3A_347 : vector<16xf32>
        %add3A_359 = arith.addf %mul3A_356, %mul3A_358 : vector<16xf32>
        %swap3A_360 = arith.index_cast %scan3A_328 : i32 to index
        %swap3A_361 = arith.constant 64 : index
        %swap3A_362 = tpu.vector_load %arg17[%swap3A_360, %swap3A_361] {strides = array<i32>} : memref<80x128xf32, #tpu.memory_space<vmem>>, vector<16xf32>,
        tpu.vector_store %arg17[%swap3A_360, %swap3A_361], %add3A_359 {strides = array<i32>} : memref<80x128xf32, #tpu.memory_space<vmem>>, vector<16xf32>,
        %get3A_363 = arith.constant 0 : i32
        %get3A_364 = arith.index_cast %scan3A_328 : i32 to index
        %get3A_365 = arith.index_cast %get3A_363 : i32 to index
        %get3A_366 = arith.constant 32 : index
        %get3A_367 = tpu.vector_load %arg15[%get3A_364, %get3A_365, %get3A_366] {strides = array<i32>} : memref<80x2x128xbf16, #tpu.memory_space<vmem>>, vector<32xbf16>,
        %get3A_368 = arith.constant 1 : i32
        %get3A_369 = arith.index_cast %scan3A_328 : i32 to index
        %get3A_370 = arith.index_cast %get3A_368 : i32 to index
        %get3A_371 = arith.constant 32 : index
        %get3A_372 = tpu.vector_load %arg15[%get3A_369, %get3A_370, %get3A_371] {strides = array<i32>} : memref<80x2x128xbf16, #tpu.memory_space<vmem>>, vector<32xbf16>,
        %unpack3A_373 = tpu.unpack_subelements %get3A_367, 0 {pack_format = #tpu.pack_format<interleaved>} : vector<32xbf16> -> vector<16xf32>
        %unpack3A_374 = tpu.unpack_subelements %get3A_367, 1 {pack_format = #tpu.pack_format<interleaved>} : vector<32xbf16> -> vector<16xf32>
        %unpack3A_375 = tpu.unpack_subelements %get3A_372, 0 {pack_format = #tpu.pack_format<interleaved>} : vector<32xbf16> -> vector<16xf32>
        %unpack3A_376 = tpu.unpack_subelements %get3A_372, 1 {pack_format = #tpu.pack_format<interleaved>} : vector<32xbf16> -> vector<16xf32>
        %mul3A_377 = vector.broadcast %squeeze3A : f32 to vector<16xf32>
        %mul3A_378 = arith.mulf %mul3A_377, %unpack3A_373 : vector<16xf32>
        %mul3A_379 = vector.broadcast %squeeze3A_334 : f32 to vector<16xf32>
        %mul3A_380 = arith.mulf %mul3A_379, %unpack3A_375 : vector<16xf32>
        %add3A_381 = arith.addf %mul3A_378, %mul3A_380 : vector<16xf32>
        %swap3A_382 = arith.index_cast %scan3A_328 : i32 to index
        %swap3A_383 = arith.constant 16 : index
        %swap3A_384 = tpu.vector_load %arg17[%swap3A_382, %swap3A_383] {strides = array<i32>} : memref<80x128xf32, #tpu.memory_space<vmem>>, vector<16xf32>,
        tpu.vector_store %arg17[%swap3A_382, %swap3A_383], %add3A_381 {strides = array<i32>} : memref<80x128xf32, #tpu.memory_space<vmem>>, vector<16xf32>,
        %mul3A_385 = vector.broadcast %squeeze3A : f32 to vector<16xf32>
        %mul3A_386 = arith.mulf %mul3A_385, %unpack3A_374 : vector<16xf32>
        %mul3A_387 = vector.broadcast %squeeze3A_334 : f32 to vector<16xf32>
        %mul3A_388 = arith.mulf %mul3A_387, %unpack3A_376 : vector<16xf32>
        %add3A_389 = arith.addf %mul3A_386, %mul3A_388 : vector<16xf32>
        %swap3A_390 = arith.index_cast %scan3A_328 : i32 to index
        %swap3A_391 = arith.constant 80 : index
        %swap3A_392 = tpu.vector_load %arg17[%swap3A_390, %swap3A_391] {strides = array<i32>} : memref<80x128xf32, #tpu.memory_space<vmem>>, vector<16xf32>,
        tpu.vector_store %arg17[%swap3A_390, %swap3A_391], %add3A_389 {strides = array<i32>} : memref<80x128xf32, #tpu.memory_space<vmem>>, vector<16xf32>,
        %get3A_393 = arith.constant 0 : i32
        %get3A_394 = arith.index_cast %scan3A_328 : i32 to index
        %get3A_395 = arith.index_cast %get3A_393 : i32 to index
        %get3A_396 = arith.constant 64 : index
        %get3A_397 = tpu.vector_load %arg15[%get3A_394, %get3A_395, %get3A_396] {strides = array<i32>} : memref<80x2x128xbf16, #tpu.memory_space<vmem>>, vector<32xbf16>,
        %get3A_398 = arith.constant 1 : i32
        %get3A_399 = arith.index_cast %scan3A_328 : i32 to index
        %get3A_400 = arith.index_cast %get3A_398 : i32 to index
        %get3A_401 = arith.constant 64 : index
        %get3A_402 = tpu.vector_load %arg15[%get3A_399, %get3A_400, %get3A_401] {strides = array<i32>} : memref<80x2x128xbf16, #tpu.memory_space<vmem>>, vector<32xbf16>,
        %unpack3A_403 = tpu.unpack_subelements %get3A_397, 0 {pack_format = #tpu.pack_format<interleaved>} : vector<32xbf16> -> vector<16xf32>
        %unpack3A_404 = tpu.unpack_subelements %get3A_397, 1 {pack_format = #tpu.pack_format<interleaved>} : vector<32xbf16> -> vector<16xf32>
        %unpack3A_405 = tpu.unpack_subelements %get3A_402, 0 {pack_format = #tpu.pack_format<interleaved>} : vector<32xbf16> -> vector<16xf32>
        %unpack3A_406 = tpu.unpack_subelements %get3A_402, 1 {pack_format = #tpu.pack_format<interleaved>} : vector<32xbf16> -> vector<16xf32>
        %mul3A_407 = vector.broadcast %squeeze3A : f32 to vector<16xf32>
        %mul3A_408 = arith.mulf %mul3A_407, %unpack3A_403 : vector<16xf32>
        %mul3A_409 = vector.broadcast %squeeze3A_334 : f32 to vector<16xf32>
        %mul3A_410 = arith.mulf %mul3A_409, %unpack3A_405 : vector<16xf32>
        %add3A_411 = arith.addf %mul3A_408, %mul3A_410 : vector<16xf32>
        %swap3A_412 = arith.index_cast %scan3A_328 : i32 to index
        %swap3A_413 = arith.constant 32 : index
        %swap3A_414 = tpu.vector_load %arg17[%swap3A_412, %swap3A_413] {strides = array<i32>} : memref<80x128xf32, #tpu.memory_space<vmem>>, vector<16xf32>,
        tpu.vector_store %arg17[%swap3A_412, %swap3A_413], %add3A_411 {strides = array<i32>} : memref<80x128xf32, #tpu.memory_space<vmem>>, vector<16xf32>,
        %mul3A_415 = vector.broadcast %squeeze3A : f32 to vector<16xf32>
        %mul3A_416 = arith.mulf %mul3A_415, %unpack3A_404 : vector<16xf32>
        %mul3A_417 = vector.broadcast %squeeze3A_334 : f32 to vector<16xf32>
        %mul3A_418 = arith.mulf %mul3A_417, %unpack3A_406 : vector<16xf32>
        %add3A_419 = arith.addf %mul3A_416, %mul3A_418 : vector<16xf32>
        %swap3A_420 = arith.index_cast %scan3A_328 : i32 to index
        %swap3A_421 = arith.constant 96 : index
        %swap3A_422 = tpu.vector_load %arg17[%swap3A_420, %swap3A_421] {strides = array<i32>} : memref<80x128xf32, #tpu.memory_space<vmem>>, vector<16xf32>,
        tpu.vector_store %arg17[%swap3A_420, %swap3A_421], %add3A_419 {strides = array<i32>} : memref<80x128xf32, #tpu.memory_space<vmem>>, vector<16xf32>,
        %get3A_423 = arith.constant 0 : i32
        %get3A_424 = arith.index_cast %scan3A_328 : i32 to index
        %get3A_425 = arith.index_cast %get3A_423 : i32 to index
        %get3A_426 = arith.constant 96 : index
        %get3A_427 = tpu.vector_load %arg15[%get3A_424, %get3A_425, %get3A_426] {strides = array<i32>} : memref<80x2x128xbf16, #tpu.memory_space<vmem>>, vector<32xbf16>,
        %get3A_428 = arith.constant 1 : i32
        %get3A_429 = arith.index_cast %scan3A_328 : i32 to index
        %get3A_430 = arith.index_cast %get3A_428 : i32 to index
        %get3A_431 = arith.constant 96 : index
        %get3A_432 = tpu.vector_load %arg15[%get3A_429, %get3A_430, %get3A_431] {strides = array<i32>} : memref<80x2x128xbf16, #tpu.memory_space<vmem>>, vector<32xbf16>,
        %unpack3A_433 = tpu.unpack_subelements %get3A_427, 0 {pack_format = #tpu.pack_format<interleaved>} : vector<32xbf16> -> vector<16xf32>
        %unpack3A_434 = tpu.unpack_subelements %get3A_427, 1 {pack_format = #tpu.pack_format<interleaved>} : vector<32xbf16> -> vector<16xf32>
        %unpack3A_435 = tpu.unpack_subelements %get3A_432, 0 {pack_format = #tpu.pack_format<interleaved>} : vector<32xbf16> -> vector<16xf32>
        %unpack3A_436 = tpu.unpack_subelements %get3A_432, 1 {pack_format = #tpu.pack_format<interleaved>} : vector<32xbf16> -> vector<16xf32>
        %mul3A_437 = vector.broadcast %squeeze3A : f32 to vector<16xf32>
        %mul3A_438 = arith.mulf %mul3A_437, %unpack3A_433 : vector<16xf32>
        %mul3A_439 = vector.broadcast %squeeze3A_334 : f32 to vector<16xf32>
        %mul3A_440 = arith.mulf %mul3A_439, %unpack3A_435 : vector<16xf32>
        %add3A_441 = arith.addf %mul3A_438, %mul3A_440 : vector<16xf32>
        %swap3A_442 = arith.index_cast %scan3A_328 : i32 to index
        %swap3A_443 = arith.constant 48 : index
        %swap3A_444 = tpu.vector_load %arg17[%swap3A_442, %swap3A_443] {strides = array<i32>} : memref<80x128xf32, #tpu.memory_space<vmem>>, vector<16xf32>,
        tpu.vector_store %arg17[%swap3A_442, %swap3A_443], %add3A_441 {strides = array<i32>} : memref<80x128xf32, #tpu.memory_space<vmem>>, vector<16xf32>,
        %mul3A_445 = vector.broadcast %squeeze3A : f32 to vector<16xf32>
        %mul3A_446 = arith.mulf %mul3A_445, %unpack3A_434 : vector<16xf32>
        %mul3A_447 = vector.broadcast %squeeze3A_334 : f32 to vector<16xf32>
        %mul3A_448 = arith.mulf %mul3A_447, %unpack3A_436 : vector<16xf32>
        %add3A_449 = arith.addf %mul3A_446, %mul3A_448 : vector<16xf32>
        %swap3A_450 = arith.index_cast %scan3A_328 : i32 to index
        %swap3A_451 = arith.constant 112 : index
        %swap3A_452 = tpu.vector_load %arg17[%swap3A_450, %swap3A_451] {strides = array<i32>} : memref<80x128xf32, #tpu.memory_space<vmem>>, vector<16xf32>,
        tpu.vector_store %arg17[%swap3A_450, %swap3A_451], %add3A_449 {strides = array<i32>} : memref<80x128xf32, #tpu.memory_space<vmem>>, vector<16xf32>,
        %scan3A_453 = arith.constant 0 : i32
        scf.yield %scan3A_453 : i32
      }
      %scan3A_307 = arith.constant 80 : i32
      %dma_wait3A_308 = arith.constant 0 : i32
      %dma_wait3A_309 = tpu.memref_slice %arg11[%rem3A_37, %dma_wait3A_308] : memref<2x80xi32, #tpu.memory_space<vmem>> -> memref<1x80xi32, #tpu.memory_space<vmem>>
      %dma_wait3A_310 = tpu.memref_squeeze %dma_wait3A_309 : memref<1x80xi32, #tpu.memory_space<vmem>> -> memref<80xi32, #tpu.memory_space<vmem>>
      %dma_wait3A_311 = arith.constant 0 : i32
      %dma_wait3A_312 = arith.constant 0 : i32
      %dma_wait3A_313 = arith.constant 0 : i32
      %dma_wait3A_314 = tpu.memref_slice %arg7[%dma_wait3A_311, %dma_wait3A_312, %dma_wait3A_313] : memref<10000x2x128xbf16, #tpu.memory_space<hbm>> -> memref<10000x2x128xbf16, #tpu.memory_space<hbm>>
      tpu.wait_indirect_dma semaphore(%arg23 : memref<!tpu.dma_semaphore, #tpu.memory_space<semaphore_mem>>) src(%dma_wait3A_314 : memref<10000x2x128xbf16, #tpu.memory_space<hbm>>) dst(%arg16 : memref<80x2x128xbf16, #tpu.memory_space<vmem>>)
      %lt3A_315 = arith.constant 125 : i32
      %lt3A_316 = arith.cmpi slt, %add3A_40, %lt3A_315 : i32
      %convert_element_type3A_317 = arith.extui %lt3A_316 : i1 to i32
      %cond3A_318 = arith.constant 0 : i32
      %cond3A_319 = arith.cmpi ne, %convert_element_type3A_317, %cond3A_318 : i32
      scf.if %cond3A_319 {
        %dma_wait3A_328 = arith.constant 0 : i32
        %dma_wait3A_329 = tpu.memref_slice %arg10[%sub3A_38, %dma_wait3A_328] : memref<2x80xi32, #tpu.memory_space<vmem>> -> memref<1x80xi32, #tpu.memory_space<vmem>>
        %dma_wait3A_330 = tpu.memref_squeeze %dma_wait3A_329 : memref<1x80xi32, #tpu.memory_space<vmem>> -> memref<80xi32, #tpu.memory_space<vmem>>
        %dma_wait3A_331 = arith.constant 0 : i32
        %dma_wait3A_332 = tpu.memref_slice %arg2[%dma_wait3A_331] : memref<320000xi32, #tpu.memory_space<hbm>> -> memref<80xi32, #tpu.memory_space<hbm>>
        %dma_wait3A_333 = arith.constant 0 : i32
        %dma_wait3A_334 = tpu.memref_slice %arg10[%sub3A_38, %dma_wait3A_333] : memref<2x80xi32, #tpu.memory_space<vmem>> -> memref<1x80xi32, #tpu.memory_space<vmem>>
        %dma_wait3A_335 = tpu.memref_squeeze %dma_wait3A_334 : memref<1x80xi32, #tpu.memory_space<vmem>> -> memref<80xi32, #tpu.memory_space<vmem>>
        %dma_wait3A_336 = arith.constant 0 : i32
        %dma_wait3A_337 = tpu.memref_slice %arg2[%dma_wait3A_336] : memref<320000xi32, #tpu.memory_space<hbm>> -> memref<80xi32, #tpu.memory_space<hbm>>
        tpu.wait_dma2 semaphore(%arg19 : memref<!tpu.dma_semaphore, #tpu.memory_space<semaphore_mem>>) src(%dma_wait3A_337 : memref<80xi32, #tpu.memory_space<hbm>>) dst(%dma_wait3A_335 : memref<80xi32, #tpu.memory_space<vmem>>)
        %dma_wait3A_338 = arith.constant 0 : i32
        %dma_wait3A_339 = tpu.memref_slice %arg11[%sub3A_38, %dma_wait3A_338] : memref<2x80xi32, #tpu.memory_space<vmem>> -> memref<1x80xi32, #tpu.memory_space<vmem>>
        %dma_wait3A_340 = tpu.memref_squeeze %dma_wait3A_339 : memref<1x80xi32, #tpu.memory_space<vmem>> -> memref<80xi32, #tpu.memory_space<vmem>>
        %dma_wait3A_341 = arith.constant 0 : i32
        %dma_wait3A_342 = tpu.memref_slice %arg3[%dma_wait3A_341] : memref<320000xi32, #tpu.memory_space<hbm>> -> memref<80xi32, #tpu.memory_space<hbm>>
        %dma_wait3A_343 = arith.constant 0 : i32
        %dma_wait3A_344 = tpu.memref_slice %arg11[%sub3A_38, %dma_wait3A_343] : memref<2x80xi32, #tpu.memory_space<vmem>> -> memref<1x80xi32, #tpu.memory_space<vmem>>
        %dma_wait3A_345 = tpu.memref_squeeze %dma_wait3A_344 : memref<1x80xi32, #tpu.memory_space<vmem>> -> memref<80xi32, #tpu.memory_space<vmem>>
        %dma_wait3A_346 = arith.constant 0 : i32
        %dma_wait3A_347 = tpu.memref_slice %arg3[%dma_wait3A_346] : memref<320000xi32, #tpu.memory_space<hbm>> -> memref<80xi32, #tpu.memory_space<hbm>>
        tpu.wait_dma2 semaphore(%arg19 : memref<!tpu.dma_semaphore, #tpu.memory_space<semaphore_mem>>) src(%dma_wait3A_347 : memref<80xi32, #tpu.memory_space<hbm>>) dst(%dma_wait3A_345 : memref<80xi32, #tpu.memory_space<vmem>>)
        %mul3A_348 = arith.constant 80 : i32
        %mul3A_349 = arith.muli %add3A_40, %mul3A_348 : i32
        %add3A_350 = arith.addi %mul3A_2, %mul3A_349 : i32
        %dma_start3A_351 = arith.constant 0 : i32
        %dma_start3A_352 = tpu.memref_slice %arg4[%add3A_350, %dma_start3A_351] : memref<320000x4xf32, #tpu.memory_space<hbm>> -> memref<80x4xf32, #tpu.memory_space<hbm>>
        %dma_start3A_353 = arith.constant 0 : i32
        %dma_start3A_354 = tpu.memref_slice %arg4[%add3A_350, %dma_start3A_353] : memref<320000x4xf32, #tpu.memory_space<hbm>> -> memref<80x4xf32, #tpu.memory_space<hbm>>
        tpu.enqueue_dma source(%dma_start3A_354 : memref<80x4xf32, #tpu.memory_space<hbm>>) target(%arg12 : memref<80x4xf32, #tpu.memory_space<vmem>>) target_semaphore(%arg20 : memref<!tpu.dma_semaphore, #tpu.memory_space<semaphore_mem>>)
        %dma_start3A_355 = arith.constant 0 : i32
        %dma_start3A_356 = tpu.memref_slice %arg10[%sub3A_38, %dma_start3A_355] : memref<2x80xi32, #tpu.memory_space<vmem>> -> memref<1x80xi32, #tpu.memory_space<vmem>>
        %dma_start3A_357 = tpu.memref_squeeze %dma_start3A_356 : memref<1x80xi32, #tpu.memory_space<vmem>> -> memref<80xi32, #tpu.memory_space<vmem>>
        %dma_start3A_358 = arith.constant 0 : i32
        %dma_start3A_359 = arith.constant 0 : i32
        %dma_start3A_360 = tpu.memref_slice %arg5[%dma_start3A_358, %dma_start3A_359] : memref<10240x16xf32, #tpu.memory_space<hbm>> -> memref<10240x16xf32, #tpu.memory_space<hbm>>
        tpu.enqueue_indirect_dma source(%dma_start3A_360 : memref<10240x16xf32, #tpu.memory_space<hbm>>) target(%arg13 : memref<80x16xf32, #tpu.memory_space<vmem>>) offsets(%dma_start3A_357 : memref<80xi32, #tpu.memory_space<vmem>>) semaphore(%arg21 : memref<!tpu.dma_semaphore, #tpu.memory_space<semaphore_mem>>)
        %dma_start3A_361 = arith.constant 0 : i32
        %dma_start3A_362 = tpu.memref_slice %arg11[%sub3A_38, %dma_start3A_361] : memref<2x80xi32, #tpu.memory_space<vmem>> -> memref<1x80xi32, #tpu.memory_space<vmem>>
        %dma_start3A_363 = tpu.memref_squeeze %dma_start3A_362 : memref<1x80xi32, #tpu.memory_space<vmem>> -> memref<80xi32, #tpu.memory_space<vmem>>
        %dma_start3A_364 = arith.constant 0 : i32
        %dma_start3A_365 = arith.constant 0 : i32
        %dma_start3A_366 = arith.constant 0 : i32
        %dma_start3A_367 = tpu.memref_slice %arg6[%dma_start3A_364, %dma_start3A_365, %dma_start3A_366] : memref<10000x2x128xbf16, #tpu.memory_space<hbm>> -> memref<10000x2x128xbf16, #tpu.memory_space<hbm>>
        tpu.enqueue_indirect_dma source(%dma_start3A_367 : memref<10000x2x128xbf16, #tpu.memory_space<hbm>>) target(%arg15 : memref<80x2x128xbf16, #tpu.memory_space<vmem>>) offsets(%dma_start3A_363 : memref<80xi32, #tpu.memory_space<vmem>>) semaphore(%arg22 : memref<!tpu.dma_semaphore, #tpu.memory_space<semaphore_mem>>)
      } else {
      }
      %scan3A_320 = arith.constant 0 : i32
      %scan3A_321 = arith.constant 0 : i32
      %scan3A_322 = arith.constant 80 : i32
      %scan3A_323 = arith.addi %scan3A_321, %scan3A_322 : i32
      %scan3A_324 = arith.constant 1 : i32
      %scan3A_325 = scf.for %scan3A_328 = %scan3A_321 to %scan3A_323 step %scan3A_324 iter_args(%scan3A_329 = %scan3A_320) -> (i32)  : i32 {
        %mul3A_330 = arith.constant 4 : i32
        %mul3A_331 = arith.muli %scan3A_328, %mul3A_330 : i32
        %get3A = arith.index_cast %mul3A_331 : i32 to index
        %get3A_332 = tpu.vector_load %arg14[%get3A] {strides = array<i32>} : memref<336xf32, #tpu.memory_space<vmem>>, vector<16xf32>,
        %slice3A = vector.extract_strided_slice %get3A_332 {offsets = [2], sizes = [1], strides = [1]} : vector<16xf32> to vector<1xf32>
        %squeeze3A = vector.extract %slice3A[0] : f32 from vector<1xf32>
        %slice3A_333 = vector.extract_strided_slice %get3A_332 {offsets = [3], sizes = [1], strides = [1]} : vector<16xf32> to vector<1xf32>
        %squeeze3A_334 = vector.extract %slice3A_333[0] : f32 from vector<1xf32>
        %get3A_335 = arith.constant 0 : i32
        %get3A_336 = arith.index_cast %scan3A_328 : i32 to index
        %get3A_337 = arith.index_cast %get3A_335 : i32 to index
        %get3A_338 = arith.constant 0 : index
        %get3A_339 = tpu.vector_load %arg16[%get3A_336, %get3A_337, %get3A_338] {strides = array<i32>} : memref<80x2x128xbf16, #tpu.memory_space<vmem>>, vector<32xbf16>,
        %get3A_340 = arith.constant 1 : i32
        %get3A_341 = arith.index_cast %scan3A_328 : i32 to index
        %get3A_342 = arith.index_cast %get3A_340 : i32 to index
        %get3A_343 = arith.constant 0 : index
        %get3A_344 = tpu.vector_load %arg16[%get3A_341, %get3A_342, %get3A_343] {strides = array<i32>} : memref<80x2x128xbf16, #tpu.memory_space<vmem>>, vector<32xbf16>,
        %unpack3A = tpu.unpack_subelements %get3A_339, 0 {pack_format = #tpu.pack_format<interleaved>} : vector<32xbf16> -> vector<16xf32>
        %unpack3A_345 = tpu.unpack_subelements %get3A_339, 1 {pack_format = #tpu.pack_format<interleaved>} : vector<32xbf16> -> vector<16xf32>
        %unpack3A_346 = tpu.unpack_subelements %get3A_344, 0 {pack_format = #tpu.pack_format<interleaved>} : vector<32xbf16> -> vector<16xf32>
        %unpack3A_347 = tpu.unpack_subelements %get3A_344, 1 {pack_format = #tpu.pack_format<interleaved>} : vector<32xbf16> -> vector<16xf32>
        %get3A_348 = arith.index_cast %scan3A_328 : i32 to index
        %get3A_349 = arith.constant 0 : index
        %get3A_350 = tpu.vector_load %arg17[%get3A_348, %get3A_349] {strides = array<i32>} : memref<80x128xf32, #tpu.memory_space<vmem>>, vector<16xf32>,
        %mul3A_351 = vector.broadcast %squeeze3A : f32 to vector<16xf32>
        %mul3A_352 = arith.mulf %mul3A_351, %unpack3A : vector<16xf32>
        %add3A_353 = arith.addf %get3A_350, %mul3A_352 : vector<16xf32>
        %mul3A_354 = vector.broadcast %squeeze3A_334 : f32 to vector<16xf32>
        %mul3A_355 = arith.mulf %mul3A_354, %unpack3A_346 : vector<16xf32>
        %add3A_356 = arith.addf %add3A_353, %mul3A_355 : vector<16xf32>
        %swap3A = arith.index_cast %scan3A_328 : i32 to index
        %swap3A_357 = arith.constant 0 : index
        %swap3A_358 = tpu.vector_load %arg17[%swap3A, %swap3A_357] {strides = array<i32>} : memref<80x128xf32, #tpu.memory_space<vmem>>, vector<16xf32>,
        tpu.vector_store %arg17[%swap3A, %swap3A_357], %add3A_356 {strides = array<i32>} : memref<80x128xf32, #tpu.memory_space<vmem>>, vector<16xf32>,
        %get3A_359 = arith.index_cast %scan3A_328 : i32 to index
        %get3A_360 = arith.constant 64 : index
        %get3A_361 = tpu.vector_load %arg17[%get3A_359, %get3A_360] {strides = array<i32>} : memref<80x128xf32, #tpu.memory_space<vmem>>, vector<16xf32>,
        %mul3A_362 = vector.broadcast %squeeze3A : f32 to vector<16xf32>
        %mul3A_363 = arith.mulf %mul3A_362, %unpack3A_345 : vector<16xf32>
        %add3A_364 = arith.addf %get3A_361, %mul3A_363 : vector<16xf32>
        %mul3A_365 = vector.broadcast %squeeze3A_334 : f32 to vector<16xf32>
        %mul3A_366 = arith.mulf %mul3A_365, %unpack3A_347 : vector<16xf32>
        %add3A_367 = arith.addf %add3A_364, %mul3A_366 : vector<16xf32>
        %swap3A_368 = arith.index_cast %scan3A_328 : i32 to index
        %swap3A_369 = arith.constant 64 : index
        %swap3A_370 = tpu.vector_load %arg17[%swap3A_368, %swap3A_369] {strides = array<i32>} : memref<80x128xf32, #tpu.memory_space<vmem>>, vector<16xf32>,
        tpu.vector_store %arg17[%swap3A_368, %swap3A_369], %add3A_367 {strides = array<i32>} : memref<80x128xf32, #tpu.memory_space<vmem>>, vector<16xf32>,
        %get3A_371 = arith.constant 0 : i32
        %get3A_372 = arith.index_cast %scan3A_328 : i32 to index
        %get3A_373 = arith.index_cast %get3A_371 : i32 to index
        %get3A_374 = arith.constant 32 : index
        %get3A_375 = tpu.vector_load %arg16[%get3A_372, %get3A_373, %get3A_374] {strides = array<i32>} : memref<80x2x128xbf16, #tpu.memory_space<vmem>>, vector<32xbf16>,
        %get3A_376 = arith.constant 1 : i32
        %get3A_377 = arith.index_cast %scan3A_328 : i32 to index
        %get3A_378 = arith.index_cast %get3A_376 : i32 to index
        %get3A_379 = arith.constant 32 : index
        %get3A_380 = tpu.vector_load %arg16[%get3A_377, %get3A_378, %get3A_379] {strides = array<i32>} : memref<80x2x128xbf16, #tpu.memory_space<vmem>>, vector<32xbf16>,
        %unpack3A_381 = tpu.unpack_subelements %get3A_375, 0 {pack_format = #tpu.pack_format<interleaved>} : vector<32xbf16> -> vector<16xf32>
        %unpack3A_382 = tpu.unpack_subelements %get3A_375, 1 {pack_format = #tpu.pack_format<interleaved>} : vector<32xbf16> -> vector<16xf32>
        %unpack3A_383 = tpu.unpack_subelements %get3A_380, 0 {pack_format = #tpu.pack_format<interleaved>} : vector<32xbf16> -> vector<16xf32>
        %unpack3A_384 = tpu.unpack_subelements %get3A_380, 1 {pack_format = #tpu.pack_format<interleaved>} : vector<32xbf16> -> vector<16xf32>
        %get3A_385 = arith.index_cast %scan3A_328 : i32 to index
        %get3A_386 = arith.constant 16 : index
        %get3A_387 = tpu.vector_load %arg17[%get3A_385, %get3A_386] {strides = array<i32>} : memref<80x128xf32, #tpu.memory_space<vmem>>, vector<16xf32>,
        %mul3A_388 = vector.broadcast %squeeze3A : f32 to vector<16xf32>
        %mul3A_389 = arith.mulf %mul3A_388, %unpack3A_381 : vector<16xf32>
        %add3A_390 = arith.addf %get3A_387, %mul3A_389 : vector<16xf32>
        %mul3A_391 = vector.broadcast %squeeze3A_334 : f32 to vector<16xf32>
        %mul3A_392 = arith.mulf %mul3A_391, %unpack3A_383 : vector<16xf32>
        %add3A_393 = arith.addf %add3A_390, %mul3A_392 : vector<16xf32>
        %swap3A_394 = arith.index_cast %scan3A_328 : i32 to index
        %swap3A_395 = arith.constant 16 : index
        %swap3A_396 = tpu.vector_load %arg17[%swap3A_394, %swap3A_395] {strides = array<i32>} : memref<80x128xf32, #tpu.memory_space<vmem>>, vector<16xf32>,
        tpu.vector_store %arg17[%swap3A_394, %swap3A_395], %add3A_393 {strides = array<i32>} : memref<80x128xf32, #tpu.memory_space<vmem>>, vector<16xf32>,
        %get3A_397 = arith.index_cast %scan3A_328 : i32 to index
        %get3A_398 = arith.constant 80 : index
        %get3A_399 = tpu.vector_load %arg17[%get3A_397, %get3A_398] {strides = array<i32>} : memref<80x128xf32, #tpu.memory_space<vmem>>, vector<16xf32>,
        %mul3A_400 = vector.broadcast %squeeze3A : f32 to vector<16xf32>
        %mul3A_401 = arith.mulf %mul3A_400, %unpack3A_382 : vector<16xf32>
        %add3A_402 = arith.addf %get3A_399, %mul3A_401 : vector<16xf32>
        %mul3A_403 = vector.broadcast %squeeze3A_334 : f32 to vector<16xf32>
        %mul3A_404 = arith.mulf %mul3A_403, %unpack3A_384 : vector<16xf32>
        %add3A_405 = arith.addf %add3A_402, %mul3A_404 : vector<16xf32>
        %swap3A_406 = arith.index_cast %scan3A_328 : i32 to index
        %swap3A_407 = arith.constant 80 : index
        %swap3A_408 = tpu.vector_load %arg17[%swap3A_406, %swap3A_407] {strides = array<i32>} : memref<80x128xf32, #tpu.memory_space<vmem>>, vector<16xf32>,
        tpu.vector_store %arg17[%swap3A_406, %swap3A_407], %add3A_405 {strides = array<i32>} : memref<80x128xf32, #tpu.memory_space<vmem>>, vector<16xf32>,
        %get3A_409 = arith.constant 0 : i32
        %get3A_410 = arith.index_cast %scan3A_328 : i32 to index
        %get3A_411 = arith.index_cast %get3A_409 : i32 to index
        %get3A_412 = arith.constant 64 : index
        %get3A_413 = tpu.vector_load %arg16[%get3A_410, %get3A_411, %get3A_412] {strides = array<i32>} : memref<80x2x128xbf16, #tpu.memory_space<vmem>>, vector<32xbf16>,
        %get3A_414 = arith.constant 1 : i32
        %get3A_415 = arith.index_cast %scan3A_328 : i32 to index
        %get3A_416 = arith.index_cast %get3A_414 : i32 to index
        %get3A_417 = arith.constant 64 : index
        %get3A_418 = tpu.vector_load %arg16[%get3A_415, %get3A_416, %get3A_417] {strides = array<i32>} : memref<80x2x128xbf16, #tpu.memory_space<vmem>>, vector<32xbf16>,
        %unpack3A_419 = tpu.unpack_subelements %get3A_413, 0 {pack_format = #tpu.pack_format<interleaved>} : vector<32xbf16> -> vector<16xf32>
        %unpack3A_420 = tpu.unpack_subelements %get3A_413, 1 {pack_format = #tpu.pack_format<interleaved>} : vector<32xbf16> -> vector<16xf32>
        %unpack3A_421 = tpu.unpack_subelements %get3A_418, 0 {pack_format = #tpu.pack_format<interleaved>} : vector<32xbf16> -> vector<16xf32>
        %unpack3A_422 = tpu.unpack_subelements %get3A_418, 1 {pack_format = #tpu.pack_format<interleaved>} : vector<32xbf16> -> vector<16xf32>
        %get3A_423 = arith.index_cast %scan3A_328 : i32 to index
        %get3A_424 = arith.constant 32 : index
        %get3A_425 = tpu.vector_load %arg17[%get3A_423, %get3A_424] {strides = array<i32>} : memref<80x128xf32, #tpu.memory_space<vmem>>, vector<16xf32>,
        %mul3A_426 = vector.broadcast %squeeze3A : f32 to vector<16xf32>
        %mul3A_427 = arith.mulf %mul3A_426, %unpack3A_419 : vector<16xf32>
        %add3A_428 = arith.addf %get3A_425, %mul3A_427 : vector<16xf32>
        %mul3A_429 = vector.broadcast %squeeze3A_334 : f32 to vector<16xf32>
        %mul3A_430 = arith.mulf %mul3A_429, %unpack3A_421 : vector<16xf32>
        %add3A_431 = arith.addf %add3A_428, %mul3A_430 : vector<16xf32>
        %swap3A_432 = arith.index_cast %scan3A_328 : i32 to index
        %swap3A_433 = arith.constant 32 : index
        %swap3A_434 = tpu.vector_load %arg17[%swap3A_432, %swap3A_433] {strides = array<i32>} : memref<80x128xf32, #tpu.memory_space<vmem>>, vector<16xf32>,
        tpu.vector_store %arg17[%swap3A_432, %swap3A_433], %add3A_431 {strides = array<i32>} : memref<80x128xf32, #tpu.memory_space<vmem>>, vector<16xf32>,
        %get3A_435 = arith.index_cast %scan3A_328 : i32 to index
        %get3A_436 = arith.constant 96 : index
        %get3A_437 = tpu.vector_load %arg17[%get3A_435, %get3A_436] {strides = array<i32>} : memref<80x128xf32, #tpu.memory_space<vmem>>, vector<16xf32>,
        %mul3A_438 = vector.broadcast %squeeze3A : f32 to vector<16xf32>
        %mul3A_439 = arith.mulf %mul3A_438, %unpack3A_420 : vector<16xf32>
        %add3A_440 = arith.addf %get3A_437, %mul3A_439 : vector<16xf32>
        %mul3A_441 = vector.broadcast %squeeze3A_334 : f32 to vector<16xf32>
        %mul3A_442 = arith.mulf %mul3A_441, %unpack3A_422 : vector<16xf32>
        %add3A_443 = arith.addf %add3A_440, %mul3A_442 : vector<16xf32>
        %swap3A_444 = arith.index_cast %scan3A_328 : i32 to index
        %swap3A_445 = arith.constant 96 : index
        %swap3A_446 = tpu.vector_load %arg17[%swap3A_444, %swap3A_445] {strides = array<i32>} : memref<80x128xf32, #tpu.memory_space<vmem>>, vector<16xf32>,
        tpu.vector_store %arg17[%swap3A_444, %swap3A_445], %add3A_443 {strides = array<i32>} : memref<80x128xf32, #tpu.memory_space<vmem>>, vector<16xf32>,
        %get3A_447 = arith.constant 0 : i32
        %get3A_448 = arith.index_cast %scan3A_328 : i32 to index
        %get3A_449 = arith.index_cast %get3A_447 : i32 to index
        %get3A_450 = arith.constant 96 : index
        %get3A_451 = tpu.vector_load %arg16[%get3A_448, %get3A_449, %get3A_450] {strides = array<i32>} : memref<80x2x128xbf16, #tpu.memory_space<vmem>>, vector<32xbf16>,
        %get3A_452 = arith.constant 1 : i32
        %get3A_453 = arith.index_cast %scan3A_328 : i32 to index
        %get3A_454 = arith.index_cast %get3A_452 : i32 to index
        %get3A_455 = arith.constant 96 : index
        %get3A_456 = tpu.vector_load %arg16[%get3A_453, %get3A_454, %get3A_455] {strides = array<i32>} : memref<80x2x128xbf16, #tpu.memory_space<vmem>>, vector<32xbf16>,
        %unpack3A_457 = tpu.unpack_subelements %get3A_451, 0 {pack_format = #tpu.pack_format<interleaved>} : vector<32xbf16> -> vector<16xf32>
        %unpack3A_458 = tpu.unpack_subelements %get3A_451, 1 {pack_format = #tpu.pack_format<interleaved>} : vector<32xbf16> -> vector<16xf32>
        %unpack3A_459 = tpu.unpack_subelements %get3A_456, 0 {pack_format = #tpu.pack_format<interleaved>} : vector<32xbf16> -> vector<16xf32>
        %unpack3A_460 = tpu.unpack_subelements %get3A_456, 1 {pack_format = #tpu.pack_format<interleaved>} : vector<32xbf16> -> vector<16xf32>
        %get3A_461 = arith.index_cast %scan3A_328 : i32 to index
        %get3A_462 = arith.constant 48 : index
        %get3A_463 = tpu.vector_load %arg17[%get3A_461, %get3A_462] {strides = array<i32>} : memref<80x128xf32, #tpu.memory_space<vmem>>, vector<16xf32>,
        %mul3A_464 = vector.broadcast %squeeze3A : f32 to vector<16xf32>
        %mul3A_465 = arith.mulf %mul3A_464, %unpack3A_457 : vector<16xf32>
        %add3A_466 = arith.addf %get3A_463, %mul3A_465 : vector<16xf32>
        %mul3A_467 = vector.broadcast %squeeze3A_334 : f32 to vector<16xf32>
        %mul3A_468 = arith.mulf %mul3A_467, %unpack3A_459 : vector<16xf32>
        %add3A_469 = arith.addf %add3A_466, %mul3A_468 : vector<16xf32>
        %swap3A_470 = arith.index_cast %scan3A_328 : i32 to index
        %swap3A_471 = arith.constant 48 : index
        %swap3A_472 = tpu.vector_load %arg17[%swap3A_470, %swap3A_471] {strides = array<i32>} : memref<80x128xf32, #tpu.memory_space<vmem>>, vector<16xf32>,
        tpu.vector_store %arg17[%swap3A_470, %swap3A_471], %add3A_469 {strides = array<i32>} : memref<80x128xf32, #tpu.memory_space<vmem>>, vector<16xf32>,
        %get3A_473 = arith.index_cast %scan3A_328 : i32 to index
        %get3A_474 = arith.constant 112 : index
        %get3A_475 = tpu.vector_load %arg17[%get3A_473, %get3A_474] {strides = array<i32>} : memref<80x128xf32, #tpu.memory_space<vmem>>, vector<16xf32>,
        %mul3A_476 = vector.broadcast %squeeze3A : f32 to vector<16xf32>
        %mul3A_477 = arith.mulf %mul3A_476, %unpack3A_458 : vector<16xf32>
        %add3A_478 = arith.addf %get3A_475, %mul3A_477 : vector<16xf32>
        %mul3A_479 = vector.broadcast %squeeze3A_334 : f32 to vector<16xf32>
        %mul3A_480 = arith.mulf %mul3A_479, %unpack3A_460 : vector<16xf32>
        %add3A_481 = arith.addf %add3A_478, %mul3A_480 : vector<16xf32>
        %swap3A_482 = arith.index_cast %scan3A_328 : i32 to index
        %swap3A_483 = arith.constant 112 : index
        %swap3A_484 = tpu.vector_load %arg17[%swap3A_482, %swap3A_483] {strides = array<i32>} : memref<80x128xf32, #tpu.memory_space<vmem>>, vector<16xf32>,
        tpu.vector_store %arg17[%swap3A_482, %swap3A_483], %add3A_481 {strides = array<i32>} : memref<80x128xf32, #tpu.memory_space<vmem>>, vector<16xf32>,
        %scan3A_485 = arith.constant 0 : i32
        scf.yield %scan3A_485 : i32
      }
      %scan3A_326 = arith.constant 80 : i32
      "tpu.region"() ({
        %run_scoped3A_328 = tpu.sem_alloc : memref<!tpu.dma_semaphore, #tpu.memory_space<semaphore_mem>>
        %dma_start3A_329 = arith.constant 0 : i32
        %dma_start3A_330 = tpu.memref_slice %arg10[%rem3A_37, %dma_start3A_329] : memref<2x80xi32, #tpu.memory_space<vmem>> -> memref<1x80xi32, #tpu.memory_space<vmem>>
        %dma_start3A_331 = tpu.memref_squeeze %dma_start3A_330 : memref<1x80xi32, #tpu.memory_space<vmem>> -> memref<80xi32, #tpu.memory_space<vmem>>
        %dma_start3A_332 = arith.constant 0 : i32
        %dma_start3A_333 = arith.constant 0 : i32
        %dma_start3A_334 = tpu.memref_slice %arg18[%dma_start3A_332, %dma_start3A_333] : memref<10240x128xf32, #tpu.memory_space<vmem_shared>> -> memref<10240x128xf32, #tpu.memory_space<vmem_shared>>
        tpu.enqueue_indirect_dma source(%arg17 : memref<80x128xf32, #tpu.memory_space<vmem>>) target(%dma_start3A_334 : memref<10240x128xf32, #tpu.memory_space<vmem_shared>>) offsets(%dma_start3A_331 : memref<80xi32, #tpu.memory_space<vmem>>) semaphore(%run_scoped3A_328 : memref<!tpu.dma_semaphore, #tpu.memory_space<semaphore_mem>>) {add = true}
        %dma_wait3A_335 = arith.constant 0 : i32
        %dma_wait3A_336 = tpu.memref_slice %arg10[%rem3A_37, %dma_wait3A_335] : memref<2x80xi32, #tpu.memory_space<vmem>> -> memref<1x80xi32, #tpu.memory_space<vmem>>
        %dma_wait3A_337 = tpu.memref_squeeze %dma_wait3A_336 : memref<1x80xi32, #tpu.memory_space<vmem>> -> memref<80xi32, #tpu.memory_space<vmem>>
        %dma_wait3A_338 = arith.constant 0 : i32
        %dma_wait3A_339 = arith.constant 0 : i32
        %dma_wait3A_340 = tpu.memref_slice %arg18[%dma_wait3A_338, %dma_wait3A_339] : memref<10240x128xf32, #tpu.memory_space<vmem_shared>> -> memref<10240x128xf32, #tpu.memory_space<vmem_shared>>
        tpu.wait_indirect_dma semaphore(%run_scoped3A_328 : memref<!tpu.dma_semaphore, #tpu.memory_space<semaphore_mem>>) src(%arg17 : memref<80x128xf32, #tpu.memory_space<vmem>>) dst(%dma_wait3A_340 : memref<10240x128xf32, #tpu.memory_space<vmem_shared>>)
        tpu.yield
      }) : () -> ()
      %scan3A_327 = arith.constant 0 : i32
      scf.yield %scan3A_327 : i32
    }
    %scan3A_29 = arith.constant 125 : i32
    %barrier3A_30 = arith.constant 0 : index
    tpu.barrier barrier_id(%barrier3A_30)
    %mul3A_31 = arith.constant 640 : i32
    %mul3A_32 = arith.muli %arg1, %mul3A_31 : i32
    %mul3A_33 = arith.constant 640 : i32
    %mul3A_34 = arith.muli %arg1, %mul3A_33 : i32
    "tpu.region"() ({
      %run_scoped3A_35 = tpu.sem_alloc : memref<!tpu.dma_semaphore, #tpu.memory_space<semaphore_mem>>
      %dma_start3A_36 = arith.constant 0 : i32
      %dma_start3A_37 = tpu.memref_slice %arg9[%arg0, %mul3A_34, %dma_start3A_36] : memref<2x10240x128xf32, #tpu.memory_space<hbm>> -> memref<1x640x128xf32, #tpu.memory_space<hbm>>
      %dma_start3A_38 = tpu.memref_squeeze %dma_start3A_37 : memref<1x640x128xf32, #tpu.memory_space<hbm>> -> memref<640x128xf32, #tpu.memory_space<hbm>>
      %dma_start3A_39 = arith.constant 0 : i32
      %dma_start3A_40 = tpu.memref_slice %arg18[%mul3A_32, %dma_start3A_39] : memref<10240x128xf32, #tpu.memory_space<vmem_shared>> -> memref<640x128xf32, #tpu.memory_space<vmem_shared>>
      tpu.enqueue_dma source(%dma_start3A_40 : memref<640x128xf32, #tpu.memory_space<vmem_shared>>) target(%dma_start3A_38 : memref<640x128xf32, #tpu.memory_space<hbm>>) target_semaphore(%run_scoped3A_35 : memref<!tpu.dma_semaphore, #tpu.memory_space<semaphore_mem>>)
      %dma_wait3A = arith.constant 0 : i32
      %dma_wait3A_41 = tpu.memref_slice %arg9[%arg0, %mul3A_34, %dma_wait3A] : memref<2x10240x128xf32, #tpu.memory_space<hbm>> -> memref<1x640x128xf32, #tpu.memory_space<hbm>>
      %dma_wait3A_42 = tpu.memref_squeeze %dma_wait3A_41 : memref<1x640x128xf32, #tpu.memory_space<hbm>> -> memref<640x128xf32, #tpu.memory_space<hbm>>
      %dma_wait3A_43 = arith.constant 0 : i32
      %dma_wait3A_44 = tpu.memref_slice %arg18[%mul3A_32, %dma_wait3A_43] : memref<10240x128xf32, #tpu.memory_space<vmem_shared>> -> memref<640x128xf32, #tpu.memory_space<vmem_shared>>
      tpu.wait_dma2 semaphore(%run_scoped3A_35 : memref<!tpu.dma_semaphore, #tpu.memory_space<semaphore_mem>>) src(%dma_wait3A_44 : memref<640x128xf32, #tpu.memory_space<vmem_shared>>) dst(%dma_wait3A_42 : memref<640x128xf32, #tpu.memory_space<hbm>>)
      tpu.yield
    }) : () -> ()
    return
  }
}

#map = affine_map<(d0, d1) -> (0)>
#map1 = affine_map<(d0, d1) -> (0, 0)>
#map2 = affine_map<(d0, d1) -> (0, 0, 0)>
module attributes {stable_mosaic.version = 14 : i64} {
  func.func @_sc_edge_scores_body(%arg0: i32, %arg1: i32, %arg2: memref<320000xi32, #tpu.memory_space<hbm>>, %arg3: memref<320000xi32, #tpu.memory_space<hbm>>, %arg4: memref<80000xf32, #tpu.memory_space<hbm>>, %arg5: memref<640x16xf32, #tpu.memory_space<hbm>>, %arg6: memref<320000x4xf32, #tpu.memory_space<hbm>>, %arg7: memref<2x10240x16xf32, #tpu.memory_space<hbm>>, %arg8: memref<80000xf32, #tpu.memory_space<vmem>>, %arg9: memref<400xi32, #tpu.memory_space<vmem>>, %arg10: memref<400xi32, #tpu.memory_space<vmem>>, %arg11: memref<400x16xf32, #tpu.memory_space<vmem>>, %arg12: memref<400x4xf32, #tpu.memory_space<vmem>>, %arg13: memref<10240x16xf32, #tpu.memory_space<vmem_shared>>) attributes {dimension_semantics = [#tpu.dimension_semantics<core_parallel>, #tpu.dimension_semantics<subcore_parallel>], iteration_bounds = array<i64: 2, 16>, scalar_prefetch = 0 : i64, scratch_operands = 6 : i64, tpu.core_type = #tpu.core_type<sc_vector_subcore>, window_params = [{transform_indices = #map}, {transform_indices = #map}, {transform_indices = #map}, {transform_indices = #map1}, {transform_indices = #map1}, {transform_indices = #map2}]} {
    %mul3A = arith.constant 16 : i32
    %mul3A_0 = arith.muli %arg0, %mul3A : i32
    %add3A = arith.addi %mul3A_0, %arg1 : i32
    "tpu.region"() ({
      %run_scoped3A = tpu.sem_alloc : memref<!tpu.dma_semaphore, #tpu.memory_space<semaphore_mem>>
      tpu.enqueue_dma source(%arg4 : memref<80000xf32, #tpu.memory_space<hbm>>) target(%arg8 : memref<80000xf32, #tpu.memory_space<vmem>>) target_semaphore(%run_scoped3A : memref<!tpu.dma_semaphore, #tpu.memory_space<semaphore_mem>>)
      tpu.wait_dma2 semaphore(%run_scoped3A : memref<!tpu.dma_semaphore, #tpu.memory_space<semaphore_mem>>) src(%arg4 : memref<80000xf32, #tpu.memory_space<hbm>>) dst(%arg8 : memref<80000xf32, #tpu.memory_space<vmem>>)
      tpu.yield
    }) : () -> ()
    %mul3A_1 = arith.constant 640 : i32
    %mul3A_2 = arith.muli %arg1, %mul3A_1 : i32
    "tpu.region"() ({
      %run_scoped3A = tpu.sem_alloc : memref<!tpu.dma_semaphore, #tpu.memory_space<semaphore_mem>>
      %dma_start3A = arith.constant 0 : i32
      %dma_start3A_14 = tpu.memref_slice %arg13[%mul3A_2, %dma_start3A] : memref<10240x16xf32, #tpu.memory_space<vmem_shared>> -> memref<640x16xf32, #tpu.memory_space<vmem_shared>>
      tpu.enqueue_dma source(%arg5 : memref<640x16xf32, #tpu.memory_space<hbm>>) target(%dma_start3A_14 : memref<640x16xf32, #tpu.memory_space<vmem_shared>>) target_semaphore(%run_scoped3A : memref<!tpu.dma_semaphore, #tpu.memory_space<semaphore_mem>>)
      %dma_wait3A = arith.constant 0 : i32
      %dma_wait3A_15 = tpu.memref_slice %arg13[%mul3A_2, %dma_wait3A] : memref<10240x16xf32, #tpu.memory_space<vmem_shared>> -> memref<640x16xf32, #tpu.memory_space<vmem_shared>>
      tpu.wait_dma2 semaphore(%run_scoped3A : memref<!tpu.dma_semaphore, #tpu.memory_space<semaphore_mem>>) src(%arg5 : memref<640x16xf32, #tpu.memory_space<hbm>>) dst(%dma_wait3A_15 : memref<640x16xf32, #tpu.memory_space<vmem_shared>>)
      tpu.yield
    }) : () -> ()
    "tpu.region"() ({
      %run_scoped3A = tpu.sem_alloc : memref<!tpu.dma_semaphore, #tpu.memory_space<semaphore_mem>>
      %dma_start3A = arith.constant 0 : i32
      %dma_start3A_14 = arith.constant 0 : i32
      %dma_start3A_15 = tpu.memref_slice %arg5[%dma_start3A, %dma_start3A_14] : memref<640x16xf32, #tpu.memory_space<hbm>> -> memref<400x16xf32, #tpu.memory_space<hbm>>
      %dma_start3A_16 = arith.constant 0 : i32
      %dma_start3A_17 = arith.constant 0 : i32
      %dma_start3A_18 = tpu.memref_slice %arg5[%dma_start3A_16, %dma_start3A_17] : memref<640x16xf32, #tpu.memory_space<hbm>> -> memref<400x16xf32, #tpu.memory_space<hbm>>
      tpu.enqueue_dma source(%dma_start3A_18 : memref<400x16xf32, #tpu.memory_space<hbm>>) target(%arg11 : memref<400x16xf32, #tpu.memory_space<vmem>>) target_semaphore(%run_scoped3A : memref<!tpu.dma_semaphore, #tpu.memory_space<semaphore_mem>>)
      %dma_wait3A = arith.constant 0 : i32
      %dma_wait3A_19 = arith.constant 0 : i32
      %dma_wait3A_20 = tpu.memref_slice %arg5[%dma_wait3A, %dma_wait3A_19] : memref<640x16xf32, #tpu.memory_space<hbm>> -> memref<400x16xf32, #tpu.memory_space<hbm>>
      %dma_wait3A_21 = arith.constant 0 : i32
      %dma_wait3A_22 = arith.constant 0 : i32
      %dma_wait3A_23 = tpu.memref_slice %arg5[%dma_wait3A_21, %dma_wait3A_22] : memref<640x16xf32, #tpu.memory_space<hbm>> -> memref<400x16xf32, #tpu.memory_space<hbm>>
      tpu.wait_dma2 semaphore(%run_scoped3A : memref<!tpu.dma_semaphore, #tpu.memory_space<semaphore_mem>>) src(%dma_wait3A_23 : memref<400x16xf32, #tpu.memory_space<hbm>>) dst(%arg11 : memref<400x16xf32, #tpu.memory_space<vmem>>)
      tpu.yield
    }) : () -> ()
    %barrier3A = arith.constant 0 : index
    tpu.barrier barrier_id(%barrier3A)
    %iota3A = tpu.iota {dimensions = array<i32: 0>} : vector<16xi32>
    %scan3A = arith.constant 0 : i32
    %scan3A_3 = arith.constant 0 : i32
    %scan3A_4 = arith.constant 25 : i32
    %scan3A_5 = arith.addi %scan3A_3, %scan3A_4 : i32
    %scan3A_6 = arith.constant 1 : i32
    %scan3A_7 = scf.for %scan3A_14 = %scan3A_3 to %scan3A_5 step %scan3A_6 iter_args(%scan3A_15 = %scan3A) -> (i32)  : i32 {
      %mul3A_16 = arith.constant 10000 : i32
      %mul3A_17 = arith.muli %add3A, %mul3A_16 : i32
      %mul3A_18 = arith.constant 400 : i32
      %mul3A_19 = arith.muli %scan3A_14, %mul3A_18 : i32
      %add3A_20 = arith.addi %mul3A_17, %mul3A_19 : i32
      "tpu.region"() ({
        %run_scoped3A = tpu.sem_alloc : memref<!tpu.dma_semaphore, #tpu.memory_space<semaphore_mem>>
        %dma_start3A = tpu.memref_slice %arg2[%add3A_20] : memref<320000xi32, #tpu.memory_space<hbm>> -> memref<400xi32, #tpu.memory_space<hbm>>
        %dma_start3A_29 = tpu.memref_slice %arg2[%add3A_20] : memref<320000xi32, #tpu.memory_space<hbm>> -> memref<400xi32, #tpu.memory_space<hbm>>
        tpu.enqueue_dma source(%dma_start3A_29 : memref<400xi32, #tpu.memory_space<hbm>>) target(%arg9 : memref<400xi32, #tpu.memory_space<vmem>>) target_semaphore(%run_scoped3A : memref<!tpu.dma_semaphore, #tpu.memory_space<semaphore_mem>>)
        %dma_wait3A = tpu.memref_slice %arg2[%add3A_20] : memref<320000xi32, #tpu.memory_space<hbm>> -> memref<400xi32, #tpu.memory_space<hbm>>
        %dma_wait3A_30 = tpu.memref_slice %arg2[%add3A_20] : memref<320000xi32, #tpu.memory_space<hbm>> -> memref<400xi32, #tpu.memory_space<hbm>>
        tpu.wait_dma2 semaphore(%run_scoped3A : memref<!tpu.dma_semaphore, #tpu.memory_space<semaphore_mem>>) src(%dma_wait3A_30 : memref<400xi32, #tpu.memory_space<hbm>>) dst(%arg9 : memref<400xi32, #tpu.memory_space<vmem>>)
        tpu.yield
      }) : () -> ()
      "tpu.region"() ({
        %run_scoped3A = tpu.sem_alloc : memref<!tpu.dma_semaphore, #tpu.memory_space<semaphore_mem>>
        %dma_start3A = tpu.memref_slice %arg3[%add3A_20] : memref<320000xi32, #tpu.memory_space<hbm>> -> memref<400xi32, #tpu.memory_space<hbm>>
        %dma_start3A_29 = tpu.memref_slice %arg3[%add3A_20] : memref<320000xi32, #tpu.memory_space<hbm>> -> memref<400xi32, #tpu.memory_space<hbm>>
        tpu.enqueue_dma source(%dma_start3A_29 : memref<400xi32, #tpu.memory_space<hbm>>) target(%arg10 : memref<400xi32, #tpu.memory_space<vmem>>) target_semaphore(%run_scoped3A : memref<!tpu.dma_semaphore, #tpu.memory_space<semaphore_mem>>)
        %dma_wait3A = tpu.memref_slice %arg3[%add3A_20] : memref<320000xi32, #tpu.memory_space<hbm>> -> memref<400xi32, #tpu.memory_space<hbm>>
        %dma_wait3A_30 = tpu.memref_slice %arg3[%add3A_20] : memref<320000xi32, #tpu.memory_space<hbm>> -> memref<400xi32, #tpu.memory_space<hbm>>
        tpu.wait_dma2 semaphore(%run_scoped3A : memref<!tpu.dma_semaphore, #tpu.memory_space<semaphore_mem>>) src(%dma_wait3A_30 : memref<400xi32, #tpu.memory_space<hbm>>) dst(%arg10 : memref<400xi32, #tpu.memory_space<vmem>>)
        tpu.yield
      }) : () -> ()
      %scan3A_21 = arith.constant 0 : i32
      %scan3A_22 = arith.constant 0 : i32
      %scan3A_23 = arith.constant 25 : i32
      %scan3A_24 = arith.addi %scan3A_22, %scan3A_23 : i32
      %scan3A_25 = arith.constant 1 : i32
      %scan3A_26 = scf.for %scan3A_29 = %scan3A_22 to %scan3A_24 step %scan3A_25 iter_args(%scan3A_30 = %scan3A_21) -> (i32)  : i32 {
        %mul3A_31 = arith.constant 16 : i32
        %mul3A_32 = arith.muli %scan3A_29, %mul3A_31 : i32
        %add3A_33 = vector.broadcast %mul3A_32 : i32 to vector<16xi32>
        %add3A_34 = arith.addi %iota3A, %add3A_33 : vector<16xi32>
        %mul3A_35 = arith.constant 16 : i32
        %mul3A_36 = arith.muli %scan3A_29, %mul3A_35 : i32
        %get3A = arith.index_cast %mul3A_36 : i32 to index
        %get3A_37 = tpu.vector_load %arg9[%get3A] {strides = array<i32>} : memref<400xi32, #tpu.memory_space<vmem>>, vector<16xi32>,
        %mul3A_38 = arith.constant 16 : i32
        %mul3A_39 = arith.muli %scan3A_29, %mul3A_38 : i32
        %get3A_40 = arith.index_cast %mul3A_39 : i32 to index
        %get3A_41 = tpu.vector_load %arg10[%get3A_40] {strides = array<i32>} : memref<400xi32, #tpu.memory_space<vmem>>, vector<16xi32>,
        %mul3A_42 = arith.constant 8 : i32
        %mul3A_43 = vector.broadcast %mul3A_42 : i32 to vector<16xi32>
        %mul3A_44 = arith.muli %get3A_37, %mul3A_43 : vector<16xi32>
        %mul3A_45 = arith.constant 8 : i32
        %mul3A_46 = vector.broadcast %mul3A_45 : i32 to vector<16xi32>
        %mul3A_47 = arith.muli %get3A_41, %mul3A_46 : vector<16xi32>
        %add3A_48 = arith.constant 0 : i32
        %add3A_49 = vector.broadcast %add3A_48 : i32 to vector<16xi32>
        %add3A_50 = arith.addi %mul3A_44, %add3A_49 : vector<16xi32>
        %gather3A = tpu.vector_load_idx %arg8[%add3A_50] : memref<80000xf32, #tpu.memory_space<vmem>>[vector<16xi32>], vector<16xf32>,
        %add3A_51 = arith.constant 4 : i32
        %add3A_52 = vector.broadcast %add3A_51 : i32 to vector<16xi32>
        %add3A_53 = arith.addi %mul3A_47, %add3A_52 : vector<16xi32>
        %gather3A_54 = tpu.vector_load_idx %arg8[%add3A_53] : memref<80000xf32, #tpu.memory_space<vmem>>[vector<16xi32>], vector<16xf32>,
        %add3A_55 = arith.addf %gather3A, %gather3A_54 : vector<16xf32>
        %ge3A = arith.constant 0.000000e+00 : f32
        %ge3A_56 = vector.broadcast %ge3A : f32 to vector<16xf32>
        %ge3A_57 = arith.cmpf oge, %add3A_55, %ge3A_56 : vector<16xf32>
        %mul3A_58 = arith.constant 2.000000e-01 : f32
        %mul3A_59 = vector.broadcast %mul3A_58 : f32 to vector<16xf32>
        %mul3A_60 = arith.mulf %mul3A_59, %add3A_55 : vector<16xf32>
        %select_n3A = arith.select %ge3A_57, %add3A_55, %mul3A_60 : vector<16xi1>, vector<16xf32>
        %exp3A = math.exp %select_n3A : vector<16xf32>
        %broadcast_in_dim3A = arith.constant 0 : i32
        %broadcast_in_dim3A_61 = vector.broadcast %broadcast_in_dim3A : i32 to vector<16xi32>
        tpu.vector_store_idx %arg11[%add3A_34, %broadcast_in_dim3A_61], %exp3A : memref<400x16xf32, #tpu.memory_space<vmem>>[vector<16xi32>, vector<16xi32>], vector<16xf32>,
        tpu.vector_store_idx %arg12[%add3A_34, %broadcast_in_dim3A_61], %exp3A : memref<400x4xf32, #tpu.memory_space<vmem>>[vector<16xi32>, vector<16xi32>], vector<16xf32>,
        %add3A_62 = arith.constant 1 : i32
        %add3A_63 = vector.broadcast %add3A_62 : i32 to vector<16xi32>
        %add3A_64 = arith.addi %mul3A_44, %add3A_63 : vector<16xi32>
        %gather3A_65 = tpu.vector_load_idx %arg8[%add3A_64] : memref<80000xf32, #tpu.memory_space<vmem>>[vector<16xi32>], vector<16xf32>,
        %add3A_66 = arith.constant 5 : i32
        %add3A_67 = vector.broadcast %add3A_66 : i32 to vector<16xi32>
        %add3A_68 = arith.addi %mul3A_47, %add3A_67 : vector<16xi32>
        %gather3A_69 = tpu.vector_load_idx %arg8[%add3A_68] : memref<80000xf32, #tpu.memory_space<vmem>>[vector<16xi32>], vector<16xf32>,
        %add3A_70 = arith.addf %gather3A_65, %gather3A_69 : vector<16xf32>
        %ge3A_71 = arith.constant 0.000000e+00 : f32
        %ge3A_72 = vector.broadcast %ge3A_71 : f32 to vector<16xf32>
        %ge3A_73 = arith.cmpf oge, %add3A_70, %ge3A_72 : vector<16xf32>
        %mul3A_74 = arith.constant 2.000000e-01 : f32
        %mul3A_75 = vector.broadcast %mul3A_74 : f32 to vector<16xf32>
        %mul3A_76 = arith.mulf %mul3A_75, %add3A_70 : vector<16xf32>
        %select_n3A_77 = arith.select %ge3A_73, %add3A_70, %mul3A_76 : vector<16xi1>, vector<16xf32>
        %exp3A_78 = math.exp %select_n3A_77 : vector<16xf32>
        %broadcast_in_dim3A_79 = arith.constant 1 : i32
        %broadcast_in_dim3A_80 = vector.broadcast %broadcast_in_dim3A_79 : i32 to vector<16xi32>
        tpu.vector_store_idx %arg11[%add3A_34, %broadcast_in_dim3A_80], %exp3A_78 : memref<400x16xf32, #tpu.memory_space<vmem>>[vector<16xi32>, vector<16xi32>], vector<16xf32>,
        tpu.vector_store_idx %arg12[%add3A_34, %broadcast_in_dim3A_80], %exp3A_78 : memref<400x4xf32, #tpu.memory_space<vmem>>[vector<16xi32>, vector<16xi32>], vector<16xf32>,
        %add3A_81 = arith.constant 2 : i32
        %add3A_82 = vector.broadcast %add3A_81 : i32 to vector<16xi32>
        %add3A_83 = arith.addi %mul3A_44, %add3A_82 : vector<16xi32>
        %gather3A_84 = tpu.vector_load_idx %arg8[%add3A_83] : memref<80000xf32, #tpu.memory_space<vmem>>[vector<16xi32>], vector<16xf32>,
        %add3A_85 = arith.constant 6 : i32
        %add3A_86 = vector.broadcast %add3A_85 : i32 to vector<16xi32>
        %add3A_87 = arith.addi %mul3A_47, %add3A_86 : vector<16xi32>
        %gather3A_88 = tpu.vector_load_idx %arg8[%add3A_87] : memref<80000xf32, #tpu.memory_space<vmem>>[vector<16xi32>], vector<16xf32>,
        %add3A_89 = arith.addf %gather3A_84, %gather3A_88 : vector<16xf32>
        %ge3A_90 = arith.constant 0.000000e+00 : f32
        %ge3A_91 = vector.broadcast %ge3A_90 : f32 to vector<16xf32>
        %ge3A_92 = arith.cmpf oge, %add3A_89, %ge3A_91 : vector<16xf32>
        %mul3A_93 = arith.constant 2.000000e-01 : f32
        %mul3A_94 = vector.broadcast %mul3A_93 : f32 to vector<16xf32>
        %mul3A_95 = arith.mulf %mul3A_94, %add3A_89 : vector<16xf32>
        %select_n3A_96 = arith.select %ge3A_92, %add3A_89, %mul3A_95 : vector<16xi1>, vector<16xf32>
        %exp3A_97 = math.exp %select_n3A_96 : vector<16xf32>
        %broadcast_in_dim3A_98 = arith.constant 2 : i32
        %broadcast_in_dim3A_99 = vector.broadcast %broadcast_in_dim3A_98 : i32 to vector<16xi32>
        tpu.vector_store_idx %arg11[%add3A_34, %broadcast_in_dim3A_99], %exp3A_97 : memref<400x16xf32, #tpu.memory_space<vmem>>[vector<16xi32>, vector<16xi32>], vector<16xf32>,
        tpu.vector_store_idx %arg12[%add3A_34, %broadcast_in_dim3A_99], %exp3A_97 : memref<400x4xf32, #tpu.memory_space<vmem>>[vector<16xi32>, vector<16xi32>], vector<16xf32>,
        %add3A_100 = arith.constant 3 : i32
        %add3A_101 = vector.broadcast %add3A_100 : i32 to vector<16xi32>
        %add3A_102 = arith.addi %mul3A_44, %add3A_101 : vector<16xi32>
        %gather3A_103 = tpu.vector_load_idx %arg8[%add3A_102] : memref<80000xf32, #tpu.memory_space<vmem>>[vector<16xi32>], vector<16xf32>,
        %add3A_104 = arith.constant 7 : i32
        %add3A_105 = vector.broadcast %add3A_104 : i32 to vector<16xi32>
        %add3A_106 = arith.addi %mul3A_47, %add3A_105 : vector<16xi32>
        %gather3A_107 = tpu.vector_load_idx %arg8[%add3A_106] : memref<80000xf32, #tpu.memory_space<vmem>>[vector<16xi32>], vector<16xf32>,
        %add3A_108 = arith.addf %gather3A_103, %gather3A_107 : vector<16xf32>
        %ge3A_109 = arith.constant 0.000000e+00 : f32
        %ge3A_110 = vector.broadcast %ge3A_109 : f32 to vector<16xf32>
        %ge3A_111 = arith.cmpf oge, %add3A_108, %ge3A_110 : vector<16xf32>
        %mul3A_112 = arith.constant 2.000000e-01 : f32
        %mul3A_113 = vector.broadcast %mul3A_112 : f32 to vector<16xf32>
        %mul3A_114 = arith.mulf %mul3A_113, %add3A_108 : vector<16xf32>
        %select_n3A_115 = arith.select %ge3A_111, %add3A_108, %mul3A_114 : vector<16xi1>, vector<16xf32>
        %exp3A_116 = math.exp %select_n3A_115 : vector<16xf32>
        %broadcast_in_dim3A_117 = arith.constant 3 : i32
        %broadcast_in_dim3A_118 = vector.broadcast %broadcast_in_dim3A_117 : i32 to vector<16xi32>
        tpu.vector_store_idx %arg11[%add3A_34, %broadcast_in_dim3A_118], %exp3A_116 : memref<400x16xf32, #tpu.memory_space<vmem>>[vector<16xi32>, vector<16xi32>], vector<16xf32>,
        tpu.vector_store_idx %arg12[%add3A_34, %broadcast_in_dim3A_118], %exp3A_116 : memref<400x4xf32, #tpu.memory_space<vmem>>[vector<16xi32>, vector<16xi32>], vector<16xf32>,
        %scan3A_119 = arith.constant 0 : i32
        scf.yield %scan3A_119 : i32
      }
      %scan3A_27 = arith.constant 25 : i32
      "tpu.region"() ({
        %run_scoped3A = tpu.sem_alloc : memref<!tpu.dma_semaphore, #tpu.memory_space<semaphore_mem>>
        %dma_start3A = arith.constant 0 : i32
        %dma_start3A_29 = arith.constant 0 : i32
        %dma_start3A_30 = tpu.memref_slice %arg13[%dma_start3A, %dma_start3A_29] : memref<10240x16xf32, #tpu.memory_space<vmem_shared>> -> memref<10240x16xf32, #tpu.memory_space<vmem_shared>>
        tpu.enqueue_indirect_dma source(%arg11 : memref<400x16xf32, #tpu.memory_space<vmem>>) target(%dma_start3A_30 : memref<10240x16xf32, #tpu.memory_space<vmem_shared>>) offsets(%arg9 : memref<400xi32, #tpu.memory_space<vmem>>) semaphore(%run_scoped3A : memref<!tpu.dma_semaphore, #tpu.memory_space<semaphore_mem>>) {add = true}
        %dma_wait3A = arith.constant 0 : i32
        %dma_wait3A_31 = arith.constant 0 : i32
        %dma_wait3A_32 = tpu.memref_slice %arg13[%dma_wait3A, %dma_wait3A_31] : memref<10240x16xf32, #tpu.memory_space<vmem_shared>> -> memref<10240x16xf32, #tpu.memory_space<vmem_shared>>
        tpu.wait_indirect_dma semaphore(%run_scoped3A : memref<!tpu.dma_semaphore, #tpu.memory_space<semaphore_mem>>) src(%arg11 : memref<400x16xf32, #tpu.memory_space<vmem>>) dst(%dma_wait3A_32 : memref<10240x16xf32, #tpu.memory_space<vmem_shared>>)
        tpu.yield
      }) : () -> ()
      "tpu.region"() ({
        %run_scoped3A = tpu.sem_alloc : memref<!tpu.dma_semaphore, #tpu.memory_space<semaphore_mem>>
        %dma_start3A = arith.constant 0 : i32
        %dma_start3A_29 = tpu.memref_slice %arg6[%add3A_20, %dma_start3A] : memref<320000x4xf32, #tpu.memory_space<hbm>> -> memref<400x4xf32, #tpu.memory_space<hbm>>
        %dma_start3A_30 = arith.constant 0 : i32
        %dma_start3A_31 = tpu.memref_slice %arg6[%add3A_20, %dma_start3A_30] : memref<320000x4xf32, #tpu.memory_space<hbm>> -> memref<400x4xf32, #tpu.memory_space<hbm>>
        tpu.enqueue_dma source(%arg12 : memref<400x4xf32, #tpu.memory_space<vmem>>) target(%dma_start3A_31 : memref<400x4xf32, #tpu.memory_space<hbm>>) target_semaphore(%run_scoped3A : memref<!tpu.dma_semaphore, #tpu.memory_space<semaphore_mem>>)
        %dma_wait3A = arith.constant 0 : i32
        %dma_wait3A_32 = tpu.memref_slice %arg6[%add3A_20, %dma_wait3A] : memref<320000x4xf32, #tpu.memory_space<hbm>> -> memref<400x4xf32, #tpu.memory_space<hbm>>
        %dma_wait3A_33 = arith.constant 0 : i32
        %dma_wait3A_34 = tpu.memref_slice %arg6[%add3A_20, %dma_wait3A_33] : memref<320000x4xf32, #tpu.memory_space<hbm>> -> memref<400x4xf32, #tpu.memory_space<hbm>>
        tpu.wait_dma2 semaphore(%run_scoped3A : memref<!tpu.dma_semaphore, #tpu.memory_space<semaphore_mem>>) src(%arg12 : memref<400x4xf32, #tpu.memory_space<vmem>>) dst(%dma_wait3A_34 : memref<400x4xf32, #tpu.memory_space<hbm>>)
        tpu.yield
      }) : () -> ()
      %scan3A_28 = arith.constant 0 : i32
      scf.yield %scan3A_28 : i32
    }
    %scan3A_8 = arith.constant 25 : i32
    %barrier3A_9 = arith.constant 0 : index
    tpu.barrier barrier_id(%barrier3A_9)
    %mul3A_10 = arith.constant 640 : i32
    %mul3A_11 = arith.muli %arg1, %mul3A_10 : i32
    %mul3A_12 = arith.constant 640 : i32
    %mul3A_13 = arith.muli %arg1, %mul3A_12 : i32
    "tpu.region"() ({
      %run_scoped3A = tpu.sem_alloc : memref<!tpu.dma_semaphore, #tpu.memory_space<semaphore_mem>>
      %dma_start3A = arith.constant 0 : i32
      %dma_start3A_14 = tpu.memref_slice %arg7[%arg0, %mul3A_13, %dma_start3A] : memref<2x10240x16xf32, #tpu.memory_space<hbm>> -> memref<1x640x16xf32, #tpu.memory_space<hbm>>
      %dma_start3A_15 = tpu.memref_squeeze %dma_start3A_14 : memref<1x640x16xf32, #tpu.memory_space<hbm>> -> memref<640x16xf32, #tpu.memory_space<hbm>>
      %dma_start3A_16 = arith.constant 0 : i32
      %dma_start3A_17 = tpu.memref_slice %arg13[%mul3A_11, %dma_start3A_16] : memref<10240x16xf32, #tpu.memory_space<vmem_shared>> -> memref<640x16xf32, #tpu.memory_space<vmem_shared>>
      tpu.enqueue_dma source(%dma_start3A_17 : memref<640x16xf32, #tpu.memory_space<vmem_shared>>) target(%dma_start3A_15 : memref<640x16xf32, #tpu.memory_space<hbm>>) target_semaphore(%run_scoped3A : memref<!tpu.dma_semaphore, #tpu.memory_space<semaphore_mem>>)
      %dma_wait3A = arith.constant 0 : i32
      %dma_wait3A_18 = tpu.memref_slice %arg7[%arg0, %mul3A_13, %dma_wait3A] : memref<2x10240x16xf32, #tpu.memory_space<hbm>> -> memref<1x640x16xf32, #tpu.memory_space<hbm>>
      %dma_wait3A_19 = tpu.memref_squeeze %dma_wait3A_18 : memref<1x640x16xf32, #tpu.memory_space<hbm>> -> memref<640x16xf32, #tpu.memory_space<hbm>>
      %dma_wait3A_20 = arith.constant 0 : i32
      %dma_wait3A_21 = tpu.memref_slice %arg13[%mul3A_11, %dma_wait3A_20] : memref<10240x16xf32, #tpu.memory_space<vmem_shared>> -> memref<640x16xf32, #tpu.memory_space<vmem_shared>>
      tpu.wait_dma2 semaphore(%run_scoped3A : memref<!tpu.dma_semaphore, #tpu.memory_space<semaphore_mem>>) src(%dma_wait3A_21 : memref<640x16xf32, #tpu.memory_space<vmem_shared>>) dst(%dma_wait3A_19 : memref<640x16xf32, #tpu.memory_space<hbm>>)
      tpu.yield
    }) : () -> ()
    return
  }
}

module attributes {stable_mosaic.version = 14 : i64} {
  func.func @_tc_prep_body(%arg0: i32, %arg1: memref<1000x128xf32, #tpu.memory_space<vmem>>, %arg2: memref<128x256xf32, #tpu.memory_space<vmem>>, %arg3: memref<128x256xf32, #tpu.memory_space<vmem>>, %arg4: memref<512x8xf32, #tpu.memory_space<vmem>>, %arg5: memref<1000x2x128xbf16, #tpu.memory_space<vmem>>, %arg6: memref<1000x2x128xbf16, #tpu.memory_space<vmem>>, %arg7: memref<1000x8xf32, #tpu.memory_space<vmem>>) attributes {dimension_semantics = [#tpu.dimension_semantics<arbitrary>], iteration_bounds = array<i64: 10>, scalar_prefetch = 0 : i64, scratch_operands = 0 : i64, tpu.core_type = #tpu.core_type<tc>, window_params = [{transform_indices = @transform_0, window_bounds = array<i64: 1000, 128>}, {pipeline_mode = #tpu.pipeline_mode<synchronous>, transform_indices = @transform_1, window_bounds = array<i64: 128, 256>}, {pipeline_mode = #tpu.pipeline_mode<synchronous>, transform_indices = @transform_2, window_bounds = array<i64: 128, 256>}, {pipeline_mode = #tpu.pipeline_mode<synchronous>, transform_indices = @transform_3, window_bounds = array<i64: 512, 8>}, {transform_indices = @transform_4, window_bounds = array<i64: 1000, 2, 128>}, {transform_indices = @transform_5, window_bounds = array<i64: 1000, 2, 128>}, {transform_indices = @transform_6, window_bounds = array<i64: 1000, 8>}]} {
    %get3A = arith.constant 0 : index
    %get3A_0 = arith.constant 0 : index
    %get3A_1 = vector.load %arg1[%get3A, %get3A_0] : memref<1000x128xf32, #tpu.memory_space<vmem>>, vector<1000x128xf32>
    %get3A_2 = arith.constant 0 : index
    %get3A_3 = arith.constant 0 : index
    %get3A_4 = vector.load %arg2[%get3A_2, %get3A_3] : memref<128x256xf32, #tpu.memory_space<vmem>>, vector<128x128xf32>
    %dot_general3A = arith.constant dense<0.000000e+00> : vector<1000x128xf32>
    %dot_general3A_5 = tpu.matmul %get3A_1, %get3A_4, %dot_general3A {dimension_numbers = #tpu.dot_dimension_numbers<[1], [0], [0], [1], [0, 0, 1, 1], [], []>, transpose_lhs_hint = false} : vector<1000x128xf32>, vector<128x128xf32>, vector<1000x128xf32> -> vector<1000x128xf32>
    %get3A_6 = arith.constant 0 : index
    %get3A_7 = arith.constant 128 : index
    %get3A_8 = vector.load %arg2[%get3A_6, %get3A_7] : memref<128x256xf32, #tpu.memory_space<vmem>>, vector<128x128xf32>
    %dot_general3A_9 = arith.constant dense<0.000000e+00> : vector<1000x128xf32>
    %dot_general3A_10 = tpu.matmul %get3A_1, %get3A_8, %dot_general3A_9 {dimension_numbers = #tpu.dot_dimension_numbers<[1], [0], [0], [1], [0, 0, 1, 1], [], []>, transpose_lhs_hint = false} : vector<1000x128xf32>, vector<128x128xf32>, vector<1000x128xf32> -> vector<1000x128xf32>
    %get3A_11 = arith.constant 0 : index
    %get3A_12 = arith.constant 0 : index
    %get3A_13 = vector.load %arg3[%get3A_11, %get3A_12] : memref<128x256xf32, #tpu.memory_space<vmem>>, vector<128x128xf32>
    %dot_general3A_14 = arith.constant dense<0.000000e+00> : vector<1000x128xf32>
    %dot_general3A_15 = tpu.matmul %get3A_1, %get3A_13, %dot_general3A_14 {dimension_numbers = #tpu.dot_dimension_numbers<[1], [0], [0], [1], [0, 0, 1, 1], [], []>, transpose_lhs_hint = false} : vector<1000x128xf32>, vector<128x128xf32>, vector<1000x128xf32> -> vector<1000x128xf32>
    %get3A_16 = arith.constant 0 : index
    %get3A_17 = arith.constant 128 : index
    %get3A_18 = vector.load %arg3[%get3A_16, %get3A_17] : memref<128x256xf32, #tpu.memory_space<vmem>>, vector<128x128xf32>
    %dot_general3A_19 = arith.constant dense<0.000000e+00> : vector<1000x128xf32>
    %dot_general3A_20 = tpu.matmul %get3A_1, %get3A_18, %dot_general3A_19 {dimension_numbers = #tpu.dot_dimension_numbers<[1], [0], [0], [1], [0, 0, 1, 1], [], []>, transpose_lhs_hint = false} : vector<1000x128xf32>, vector<128x128xf32>, vector<1000x128xf32> -> vector<1000x128xf32>
    %convert_element_type3A = arith.truncf %dot_general3A_5 : vector<1000x128xf32> to vector<1000x128xbf16>
    %swap3A = arith.constant 0 : index
    %swap3A_21 = arith.constant 0 : index
    %swap3A_22 = arith.constant 0 : index
    %swap3A_23 = vector.load %arg5[%swap3A, %swap3A_21, %swap3A_22] : memref<1000x2x128xbf16, #tpu.memory_space<vmem>>, vector<1000x1x128xbf16>
    %swap3A_24 = vector.shape_cast %swap3A_23 : vector<1000x1x128xbf16> to vector<1000x128xbf16>
    %swap3A_25 = vector.shape_cast %convert_element_type3A : vector<1000x128xbf16> to vector<1000x1x128xbf16>
    tpu.vector_store %arg5[%swap3A, %swap3A_21, %swap3A_22], %swap3A_25 {strides = array<i32>} : memref<1000x2x128xbf16, #tpu.memory_space<vmem>>, vector<1000x1x128xbf16>,
    %convert_element_type3A_26 = arith.truncf %dot_general3A_10 : vector<1000x128xf32> to vector<1000x128xbf16>
    %swap3A_27 = arith.constant 0 : index
    %swap3A_28 = arith.constant 1 : index
    %swap3A_29 = arith.constant 0 : index
    %swap3A_30 = vector.load %arg5[%swap3A_27, %swap3A_28, %swap3A_29] : memref<1000x2x128xbf16, #tpu.memory_space<vmem>>, vector<1000x1x128xbf16>
    %swap3A_31 = vector.shape_cast %swap3A_30 : vector<1000x1x128xbf16> to vector<1000x128xbf16>
    %swap3A_32 = vector.shape_cast %convert_element_type3A_26 : vector<1000x128xbf16> to vector<1000x1x128xbf16>
    tpu.vector_store %arg5[%swap3A_27, %swap3A_28, %swap3A_29], %swap3A_32 {strides = array<i32>} : memref<1000x2x128xbf16, #tpu.memory_space<vmem>>, vector<1000x1x128xbf16>,
    %convert_element_type3A_33 = arith.truncf %dot_general3A_15 : vector<1000x128xf32> to vector<1000x128xbf16>
    %swap3A_34 = arith.constant 0 : index
    %swap3A_35 = arith.constant 0 : index
    %swap3A_36 = arith.constant 0 : index
    %swap3A_37 = vector.load %arg6[%swap3A_34, %swap3A_35, %swap3A_36] : memref<1000x2x128xbf16, #tpu.memory_space<vmem>>, vector<1000x1x128xbf16>
    %swap3A_38 = vector.shape_cast %swap3A_37 : vector<1000x1x128xbf16> to vector<1000x128xbf16>
    %swap3A_39 = vector.shape_cast %convert_element_type3A_33 : vector<1000x128xbf16> to vector<1000x1x128xbf16>
    tpu.vector_store %arg6[%swap3A_34, %swap3A_35, %swap3A_36], %swap3A_39 {strides = array<i32>} : memref<1000x2x128xbf16, #tpu.memory_space<vmem>>, vector<1000x1x128xbf16>,
    %convert_element_type3A_40 = arith.truncf %dot_general3A_20 : vector<1000x128xf32> to vector<1000x128xbf16>
    %swap3A_41 = arith.constant 0 : index
    %swap3A_42 = arith.constant 1 : index
    %swap3A_43 = arith.constant 0 : index
    %swap3A_44 = vector.load %arg6[%swap3A_41, %swap3A_42, %swap3A_43] : memref<1000x2x128xbf16, #tpu.memory_space<vmem>>, vector<1000x1x128xbf16>
    %swap3A_45 = vector.shape_cast %swap3A_44 : vector<1000x1x128xbf16> to vector<1000x128xbf16>
    %swap3A_46 = vector.shape_cast %convert_element_type3A_40 : vector<1000x128xbf16> to vector<1000x1x128xbf16>
    tpu.vector_store %arg6[%swap3A_41, %swap3A_42, %swap3A_43], %swap3A_46 {strides = array<i32>} : memref<1000x2x128xbf16, #tpu.memory_space<vmem>>, vector<1000x1x128xbf16>,
    %get3A_47 = arith.constant 0 : index
    %get3A_48 = arith.constant 0 : index
    %get3A_49 = vector.load %arg4[%get3A_47, %get3A_48] : memref<512x8xf32, #tpu.memory_space<vmem>>, vector<128x8xf32>
    %dot_general3A_50 = arith.constant dense<0.000000e+00> : vector<1000x8xf32>
    %dot_general3A_51 = tpu.matmul %dot_general3A_5, %get3A_49, %dot_general3A_50 {dimension_numbers = #tpu.dot_dimension_numbers<[1], [0], [0], [1], [0, 0, 1, 1], [], []>, transpose_lhs_hint = false} : vector<1000x128xf32>, vector<128x8xf32>, vector<1000x8xf32> -> vector<1000x8xf32>
    %get3A_52 = arith.constant 128 : index
    %get3A_53 = arith.constant 0 : index
    %get3A_54 = vector.load %arg4[%get3A_52, %get3A_53] : memref<512x8xf32, #tpu.memory_space<vmem>>, vector<128x8xf32>
    %dot_general3A_55 = arith.constant dense<0.000000e+00> : vector<1000x8xf32>
    %dot_general3A_56 = tpu.matmul %dot_general3A_10, %get3A_54, %dot_general3A_55 {dimension_numbers = #tpu.dot_dimension_numbers<[1], [0], [0], [1], [0, 0, 1, 1], [], []>, transpose_lhs_hint = false} : vector<1000x128xf32>, vector<128x8xf32>, vector<1000x8xf32> -> vector<1000x8xf32>
    %add3A = arith.addf %dot_general3A_51, %dot_general3A_56 : vector<1000x8xf32>
    %get3A_57 = arith.constant 256 : index
    %get3A_58 = arith.constant 0 : index
    %get3A_59 = vector.load %arg4[%get3A_57, %get3A_58] : memref<512x8xf32, #tpu.memory_space<vmem>>, vector<128x8xf32>
    %dot_general3A_60 = arith.constant dense<0.000000e+00> : vector<1000x8xf32>
    %dot_general3A_61 = tpu.matmul %dot_general3A_15, %get3A_59, %dot_general3A_60 {dimension_numbers = #tpu.dot_dimension_numbers<[1], [0], [0], [1], [0, 0, 1, 1], [], []>, transpose_lhs_hint = false} : vector<1000x128xf32>, vector<128x8xf32>, vector<1000x8xf32> -> vector<1000x8xf32>
    %add3A_62 = arith.addf %add3A, %dot_general3A_61 : vector<1000x8xf32>
    %get3A_63 = arith.constant 384 : index
    %get3A_64 = arith.constant 0 : index
    %get3A_65 = vector.load %arg4[%get3A_63, %get3A_64] : memref<512x8xf32, #tpu.memory_space<vmem>>, vector<128x8xf32>
    %dot_general3A_66 = arith.constant dense<0.000000e+00> : vector<1000x8xf32>
    %dot_general3A_67 = tpu.matmul %dot_general3A_20, %get3A_65, %dot_general3A_66 {dimension_numbers = #tpu.dot_dimension_numbers<[1], [0], [0], [1], [0, 0, 1, 1], [], []>, transpose_lhs_hint = false} : vector<1000x128xf32>, vector<128x8xf32>, vector<1000x8xf32> -> vector<1000x8xf32>
    %add3A_68 = arith.addf %add3A_62, %dot_general3A_67 : vector<1000x8xf32>
    %swap3A_69 = arith.constant 0 : index
    %swap3A_70 = arith.constant 0 : index
    %swap3A_71 = vector.load %arg7[%swap3A_69, %swap3A_70] : memref<1000x8xf32, #tpu.memory_space<vmem>>, vector<1000x8xf32>
    tpu.vector_store %arg7[%swap3A_69, %swap3A_70], %add3A_68 {strides = array<i32>} : memref<1000x8xf32, #tpu.memory_space<vmem>>, vector<1000x8xf32>,
    return
  }
  func.func @transform_0(%arg0: i32) -> (i32, i32) {
    %c0_i32 = arith.constant 0 : i32
    %c0_i32_0 = arith.constant 0 : i32
    return %arg0, %c0_i32 : i32, i32
  }
  func.func @transform_1(%arg0: i32) -> (i32, i32) {
    %c0_i32 = arith.constant 0 : i32
    %c0_i32_0 = arith.constant 0 : i32
    %c0_i32_1 = arith.constant 0 : i32
    return %c0_i32, %c0_i32_0 : i32, i32
  }
  func.func @transform_2(%arg0: i32) -> (i32, i32) {
    %c0_i32 = arith.constant 0 : i32
    %c0_i32_0 = arith.constant 0 : i32
    %c0_i32_1 = arith.constant 0 : i32
    return %c0_i32, %c0_i32_0 : i32, i32
  }
  func.func @transform_3(%arg0: i32) -> (i32, i32) {
    %c0_i32 = arith.constant 0 : i32
    %c0_i32_0 = arith.constant 0 : i32
    %c0_i32_1 = arith.constant 0 : i32
    return %c0_i32, %c0_i32_0 : i32, i32
  }
  func.func @transform_4(%arg0: i32) -> (i32, i32, i32) {
    %c0_i32 = arith.constant 0 : i32
    %c0_i32_0 = arith.constant 0 : i32
    %c0_i32_1 = arith.constant 0 : i32
    return %arg0, %c0_i32, %c0_i32_0 : i32, i32, i32
  }
  func.func @transform_5(%arg0: i32) -> (i32, i32, i32) {
    %c0_i32 = arith.constant 0 : i32
    %c0_i32_0 = arith.constant 0 : i32
    %c0_i32_1 = arith.constant 0 : i32
    return %arg0, %c0_i32, %c0_i32_0 : i32, i32, i32
  }
  func.func @transform_6(%arg0: i32) -> (i32, i32) {
    %c0_i32 = arith.constant 0 : i32
    %c0_i32_0 = arith.constant 0 : i32
    return %arg0, %c0_i32 : i32, i32
  }
}

module attributes {stable_mosaic.version = 14 : i64} {
  func.func @_tc_invd_body(%arg0: memref<2x10240x16xf32, #tpu.memory_space<vmem>>, %arg1: memref<10240x16xf32, #tpu.memory_space<vmem>>) attributes {dimension_semantics = [], scalar_prefetch = 0 : i64, scratch_operands = 0 : i64, tpu.core_type = #tpu.core_type<tc>} {
    %get3A = arith.constant 0 : index
    %get3A_0 = arith.constant 0 : index
    %get3A_1 = arith.constant 0 : index
    %get3A_2 = vector.load %arg0[%get3A, %get3A_0, %get3A_1] : memref<2x10240x16xf32, #tpu.memory_space<vmem>>, vector<1x10240x16xf32>
    %get3A_3 = vector.shape_cast %get3A_2 : vector<1x10240x16xf32> to vector<10240x16xf32>
    %get3A_4 = arith.constant 1 : index
    %get3A_5 = arith.constant 0 : index
    %get3A_6 = arith.constant 0 : index
    %get3A_7 = vector.load %arg0[%get3A_4, %get3A_5, %get3A_6] : memref<2x10240x16xf32, #tpu.memory_space<vmem>>, vector<1x10240x16xf32>
    %get3A_8 = vector.shape_cast %get3A_7 : vector<1x10240x16xf32> to vector<10240x16xf32>
    %add3A = arith.addf %get3A_3, %get3A_8 : vector<10240x16xf32>
    %add3A_9 = arith.constant 1.000000e-16 : f32
    %add3A_10 = vector.broadcast %add3A_9 : f32 to vector<10240x16xf32>
    %add3A_11 = arith.addf %add3A, %add3A_10 : vector<10240x16xf32>
    %div3A = arith.constant 2.500000e-01 : f32
    %div3A_12 = vector.broadcast %div3A : f32 to vector<10240x16xf32>
    %div3A_13 = arith.divf %div3A_12, %add3A_11 : vector<10240x16xf32>
    %swap3A = arith.constant 0 : index
    %swap3A_14 = arith.constant 0 : index
    %swap3A_15 = vector.load %arg1[%swap3A, %swap3A_14] : memref<10240x16xf32, #tpu.memory_space<vmem>>, vector<10240x16xf32>
    tpu.vector_store %arg1[%swap3A, %swap3A_14], %div3A_13 {strides = array<i32>} : memref<10240x16xf32, #tpu.memory_space<vmem>>, vector<10240x16xf32>,
    return
  }
}

module attributes {stable_mosaic.version = 14 : i64} {
  func.func @_tc_combine_body(%arg0: i32, %arg1: memref<2x2048x128xf32, #tpu.memory_space<vmem>>, %arg2: memref<2048x128xf32, #tpu.memory_space<vmem>>) attributes {dimension_semantics = [#tpu.dimension_semantics<arbitrary>], iteration_bounds = array<i64: 5>, scalar_prefetch = 0 : i64, scratch_operands = 0 : i64, tpu.core_type = #tpu.core_type<tc>, window_params = [{transform_indices = @transform_0, window_bounds = array<i64: 2, 2048, 128>}, {transform_indices = @transform_1, window_bounds = array<i64: 2048, 128>}]} {
    %get3A = arith.constant 0 : index
    %get3A_0 = arith.constant 0 : index
    %get3A_1 = arith.constant 0 : index
    %get3A_2 = vector.load %arg1[%get3A, %get3A_0, %get3A_1] : memref<2x2048x128xf32, #tpu.memory_space<vmem>>, vector<1x2048x128xf32>
    %get3A_3 = vector.shape_cast %get3A_2 : vector<1x2048x128xf32> to vector<2048x128xf32>
    %get3A_4 = arith.constant 1 : index
    %get3A_5 = arith.constant 0 : index
    %get3A_6 = arith.constant 0 : index
    %get3A_7 = vector.load %arg1[%get3A_4, %get3A_5, %get3A_6] : memref<2x2048x128xf32, #tpu.memory_space<vmem>>, vector<1x2048x128xf32>
    %get3A_8 = vector.shape_cast %get3A_7 : vector<1x2048x128xf32> to vector<2048x128xf32>
    %add3A = arith.addf %get3A_3, %get3A_8 : vector<2048x128xf32>
    %swap3A = arith.constant 0 : index
    %swap3A_9 = arith.constant 0 : index
    %swap3A_10 = vector.load %arg2[%swap3A, %swap3A_9] : memref<2048x128xf32, #tpu.memory_space<vmem>>, vector<2048x128xf32>
    tpu.vector_store %arg2[%swap3A, %swap3A_9], %add3A {strides = array<i32>} : memref<2048x128xf32, #tpu.memory_space<vmem>>, vector<2048x128xf32>,
    return
  }
  func.func @transform_0(%arg0: i32) -> (i32, i32, i32) {
    %c0_i32 = arith.constant 0 : i32
    %c0_i32_0 = arith.constant 0 : i32
    %c0_i32_1 = arith.constant 0 : i32
    return %c0_i32, %arg0, %c0_i32_0 : i32, i32, i32
  }
  func.func @transform_1(%arg0: i32) -> (i32, i32) {
    %c0_i32 = arith.constant 0 : i32
    %c0_i32_0 = arith.constant 0 : i32
    return %arg0, %c0_i32 : i32, i32
  }
}

</mosaic_0001>

<sc_bundles>
// kernel: kernel.10.cloned.1.call-start
scs
__scs_entry_jumppad:
0x0: {  	(pc) =	sbr.rel $0x88, $3  }
0x1: {  	(tag) =	ssettag $0x0;
	lr =	simm.s32 $0x1  }
0x2: {  	[smem:$0x3F9D] =	sst lr;
	_ =	strace $0xD0000000  }
0x3: {  	_ = 	snop  }
0x4: {  	_ = 	snop  }
0x5: {  	_ = 	snop  }
0x6: {  	_ = 	snop  }
0x7: {  	_ = 	snop  }
__scs_overlays_trampoline_lowered:
0x8: {  	[smem:$0x3FAC] =	sst s0  }
0x9: {  	[smem:$0x3FAD] =	sst s1  }
0xa: {  	[smem:$0x3FAE] =	sst s2  }
0xb: {  	[smem:$0x3FAF] =	sst s3  }
0xc: {  	[smem:$0x3FB0] =	sst s4  }
0xd: {  	[smem:$0x3FB1] =	sst s5  }
0xe: {  	[smem:$0x3FB2] =	sst s6  }
0xf: {  	[smem:$0x3FB3] =	sst s7  }
0x10: {  	[smem:$0x3FB4] =	sst s8  }
0x11: {  	[smem:$0x3FB5] =	sst s9;
	s0 =	simm.s32 @!p0 $0x0  }
0x12: {  	s1 =	sld [smem:$0x3F9B];
	s0 =	simm.s32 @p0 $0x1  }
0x13: {  	[smem:$0x3FB6] =	sst s0;
	s0 =	simm.s32 @!p1 $0x0  }
0x14: {  	s2 =	sld [smem:$0x3F9A];
	s0 =	simm.s32 @p1 $0x1  }
0x15: {  	[smem:$0x3FB7] =	sst s0;
	s0 =	simm.s32 @!p2 $0x0  }
0x16: {  	s3 =	sld [smem:$0x3FDB];
	s0 =	simm.s32 @p2 $0x1  }
0x17: {  	s4 =	simm.s32 $0x1BF5;
	[smem:$0x3FB9] =	sst s0  }
0x18: {  	s0 =	sld [smem:$0x3F9C];
	_ =	swait.ge [sflag:s4], $0x0  }
0x19: {  	s7 =	sld [smem:$0x3F9D]  }
0x1a: {  	s8 =	sadd.s32 $0xFFFFE003, lr  }
0x1b: {  	s9 =	sadd.s32 $0xFFFFFEF7, lr;
	s5 =	simm.s32 $0xFFFFFFFF;
	p2 =	slt.u32 s8, $0xFFFFF086  }
0x1c: {  	p1 =	slt.u32 s9, $0xF7A;
	s5 =	simm.s32 @!p2 $0x0  }
0x1d: {  	s5 =	simm.s32 @p1 $0x1;
	p0 =	seq.s32 s7, s2  }
0x1e: {  	s7 =	smul.u32 @!p0 $0xF7A, s2;
	p2 =	seq.s32 @!p0 s5, $0x0  }
0x1f: {  	s9 =	smul.u32 $0xF7A, s1;
	s8 =	simm.s32 @!p0 $0x1BF5;
	p2 =	por !p2, p0  }
0x20: {  	[sflag:s8] =	ssyncset.s32 @!p0 $0xFFFFF086;
	s6 =	sadd.s32 @!p0 s3, s7;
	s7 =	simm.s32 @!p0 $0x108  }
0x21: {  	s3 =	sadd.s32 s3, s9;
	s6 =	sadd.s32 @!p0 $0x88, s6;
	s7 =	simm.s32 @p2 $0x1082  }
0x22: {  	[simem:s7], [sflag:s8] =	dma.local @!p0 [hbm:s6], $0xF7A  }
0x23: {  	s9 =	sor.u32 $0xD0000000, s2;
	s6 =	simm.s32 $0x108;
	_ =	swait.ge @!p0 [sflag:s8], $0x0  }
0x24: {  	s3 =	sadd.s32 $0x88, s3;
	s6 =	simm.s32 @!p1 $0x1082;
	[sflag:s4] =	ssyncset.s32 $0xFFFFF086  }
0x25: {  	[simem:s6], [sflag:s4] =	dma.local [hbm:s3], $0xF7A  }
0x26: {  	[smem:$0x3F9D] =	sst s1;
	(tag) =	ssettag s2;
	_ =	strace s9  }
0x27: {  	s1 =	sld [smem:$0x3FAD]  }
0x28: {  	s2 =	sld [smem:$0x3FAE]  }
0x29: {  	s4 =	sld [smem:$0x3FB0]  }
0x2a: {  	p0 =	seq.s32 s5, $0x0;
	s5 =	sld [smem:$0x3FB1]  }
0x2b: {  	s6 =	sld [smem:$0x3FB2]  }
0x2c: {  	s7 =	sld [smem:$0x3FB3]  }
0x2d: {  	s3 =	simm.s32 $0x108;
	s8 =	sld [smem:$0x3FB4]  }
0x2e: {  	s3 =	simm.s32 @!p0 $0x1082;
	s9 =	sld [smem:$0x3FB5]  }
0x2f: {  	lr =	sadd.s32 s0, s3;
	s0 =	sld [smem:$0x3FAC]  }
0x30: {  	s3 =	sld [smem:$0x3FAF]  }
0x31: {  	[smem:$0x3FB8] =	sst s10  }
0x32: {  	s10 =	sld [smem:$0x3FB6];
	_ =	sdelay $0x3  }
0x33: {  	p0 =	seq.s32 s10, $0x1;
	s10 =	sld [smem:$0x3FB8];
	_ =	sdelay $0x3  }
0x34: {  	[smem:$0x3FB8] =	sst s10  }
0x35: {  	s10 =	sld [smem:$0x3FB7];
	_ =	sdelay $0x3  }
0x36: {  	p1 =	seq.s32 s10, $0x1;
	s10 =	sld [smem:$0x3FB8];
	_ =	sdelay $0x3  }
0x37: {  	[smem:$0x3FB8] =	sst s10  }
0x38: {  	s10 =	sld [smem:$0x3FB9]  }
0x39: {  	_ = 	snop;
	(pc) =	sbr.ind lr, $3  }
0x3a: {  	_ = 	snop  }
0x3b: {  	_ = 	snop  }
0x3c: {  	p2 =	seq.s32 s10, $0x1;
	s10 =	sld [smem:$0x3FB8]  }
0x3d: {  	_ =	shalt  }
0x3e: {  	_ =	shalt  }
0x3f: {  	_ =	shalt  }
0x40: {  	_ =	shalt  }
0x41: {  	_ =	shalt  }
0x42: {  	_ =	shalt  }
0x43: {  	_ =	shalt  }
0x44: {  	_ =	shalt  }
0x45: {  	_ =	shalt  }
0x46: {  	_ =	shalt  }
0x47: {  	_ =	shalt  }
0x48: {  	_ =	shalt  }
0x49: {  	_ =	shalt  }
0x4a: {  	_ =	shalt  }
0x4b: {  	_ =	shalt  }
0x4c: {  	_ =	shalt  }
0x4d: {  	_ =	shalt  }
0x4e: {  	_ =	shalt  }
0x4f: {  	_ =	shalt  }
0x50: {  	_ =	shalt  }
0x51: {  	_ =	shalt  }
0x52: {  	_ =	shalt  }
0x53: {  	_ =	shalt  }
0x54: {  	_ =	shalt  }
0x55: {  	_ =	shalt  }
0x56: {  	_ =	shalt  }
0x57: {  	_ =	shalt  }
0x58: {  	_ =	shalt  }
0x59: {  	_ =	shalt  }
0x5a: {  	_ =	shalt  }
0x5b: {  	_ =	shalt  }
0x5c: {  	_ =	shalt  }
0x5d: {  	_ =	shalt  }
0x5e: {  	_ =	shalt  }
0x5f: {  	_ =	shalt  }
0x60: {  	_ =	shalt  }
0x61: {  	_ =	shalt  }
0x62: {  	_ =	shalt  }
0x63: {  	_ =	shalt  }
0x64: {  	_ =	shalt  }
0x65: {  	_ =	shalt  }
0x66: {  	_ =	shalt  }
0x67: {  	_ =	shalt  }
0x68: {  	_ =	shalt  }
0x69: {  	_ =	shalt  }
0x6a: {  	_ =	shalt  }
0x6b: {  	_ =	shalt  }
0x6c: {  	_ =	shalt  }
0x6d: {  	_ =	shalt  }
0x6e: {  	_ =	shalt  }
0x6f: {  	_ =	shalt  }
0x70: {  	_ =	shalt  }
0x71: {  	_ =	shalt  }
0x72: {  	_ =	shalt  }
0x73: {  	_ =	shalt  }
0x74: {  	_ =	shalt  }
0x75: {  	_ =	shalt  }
0x76: {  	_ =	shalt  }
0x77: {  	_ =	shalt  }
0x78: {  	_ =	shalt  }
0x79: {  	_ =	shalt  }
0x7a: {  	_ =	shalt  }
0x7b: {  	_ =	shalt  }
0x7c: {  	_ =	shalt  }
0x7d: {  	_ =	shalt  }
0x7e: {  	_ =	shalt  }
0x7f: {  	_ =	shalt  }
0x80: {  	_ =	shalt  }
0x81: {  	_ =	shalt  }
0x82: {  	_ =	shalt  }
0x83: {  	_ =	shalt  }
0x84: {  	_ =	shalt  }
0x85: {  	_ =	shalt  }
0x86: {  	_ =	shalt  }
0x87: {  	_ =	shalt  }
.Lfunc_end0:
.L_simem_size_0:
called_computation.1_lowered:
.L_overlay_start_0:
0x88: {  	s2 =	sld [smem:$0x3FD9]  }
0x89: {  	s3 =	sld [smem:$0x3FFE];
	_ =	sdelay $0x1  }
0x8a: {  	s1 =	srdreg.scid  }
0x8b: {  	s0 =	sand.u32 $0x1, s1  }
0x8c: {  	s17 =	sshll.u32 s0, $0xA;
	s2 =	sadd.s32 s3, s2  }
0x8d: {  	s2 =	sadd.s32 s2, s17  }
0x8e: {  	[smem:$0x3FC4] =	sst s2  }
0x8f: {  	_ = 	snop  }
0x90: {  	s2 =	sld [smem:$0x3FD0];
	(tm) =	ssettm $0x1  }
0x91: {  	s18 =	sld [smem:$0x3FFB];
	_ =	sdelay $0x3  }
0x92: {  	_ =	strace s18  }
0x93: {  	s3 =	sld [smem:$0x3FFC];
	_ =	sdelay $0x3  }
0x94: {  	_ =	strace s3  }
0x95: {  	s3 =	sld [smem:$0x3FFD];
	_ =	sdelay $0x3  }
0x96: {  	_ =	strace s3  }
0x97: {  	_ =	strace $0x8FFFFFFF  }
0x98: {  	s19 =	sld [smem:$0x3FDB];
	_ =	sdelay $0x1  }
0x99: {  	s4 =	simm.s32 $_scs_section_size  }
0x9a: {  	s5 =	simm.s32 $_size__tile_overlayer_lowered;
	s6 =	simm.s32 $_tile_overlayer_lowered  }
0x9b: {  	s22 =	simm.s32 $0x1BFF;
	s21 =	sshll.u32 s6, $0x1;
	s3 =	sadd.s32 s4, s19  }
0x9c: {  	s7 =	simm.s32 $0x0;
	s20 =	sshll.u32 s5, $0x1;
	s5 =	sadd.s32 s21, s3  }
0x9d: {  	[timem:s7], [sflag:s22] =	dma.local [hbm:s5], s20  }
0x9e: {  	_ =	swait.ge [sflag:s22], s20  }
0x9f: {  	s4 =	ssub.s32 $0x0, s20;
	[sflag:s22] =	ssyncset.done $0x0  }
0xa0: {  	[sflag:s22] =	ssyncadd.s32 s4;
	_ =	sdelay $0x1  }
0xa1: {  	s23 =	simm.s32 $0x1B8B  }
0xa2: {  	_ =	swait.ge [sflag:s23], $0x1  }
0xa3: {  	[sflag:s23] =	ssyncset.done $0x0  }
0xa4: {  	s25 =	simm.s32 $0x1B8E;
	s24 =	sld [smem:$0x3FFE];
	[sflag:s23] =	ssyncadd.s32 $0xFFFFFFFF  }
0xa5: {  	s26 =	simm.s32 $execute0_lowered;
	[smem:$0x3FD2] =	sst s25  }
0xa6: {  	s5 =	sshll.u32 s26, $0x1;
	_ =	strace $0x80000049;
	[dreg:$0x1] =	wrdreg $0xFFFFFFFF  }
0xa7: {  	s28 =	simm.s32 $_size_execute0_lowered;
	s3 =	sadd.s32 s3, s5;
	[dreg:$0x0] =	wrdreg $0x0  }
0xa8: {  	s5 =	sshll.u32 s28, $0x1;
	[dreg:$0x2] =	wrdreg s3  }
0xa9: {  	[dreg:$0x3] =	wrdreg s5  }
0xaa: {  	[dreg:$0x4] =	wrdreg $0xC0  }
0xab: {  	_ =	task [dreg:s7], $0x5FFFF  }
0xac: {  	[dreg:$0x1] =	wrdreg $0xFFFFFFFF  }
0xad: {  	[dreg:$0x0] =	wrdreg $0x60  }
0xae: {  	[dreg:$0x2] =	wrdreg s24  }
0xaf: {  	[dreg:$0x3] =	wrdreg s2  }
0xb0: {  	[dreg:$0x4] =	wrdreg $0x82100  }
0xb1: {  	[dreg:$0x5] =	wrdreg $0x9  }
0xb2: {  	_ =	task.clear_ibuf [dreg:s7], $0x6FFFF;
	_ =	strace $0x90000049  }
0xb3: {  	s29 =	simm.s32 $0x9;
	_ =	strace $0x8000004B  }
0xb4: {  	_ =	swait.ge [sflag:s29], $0x1  }
0xb5: {  	[sflag:s29] =	ssyncadd.s32 $0xFFFFFFFF  }
0xb6: {  	_ =	strace $0x9000004B  }
0xb7: {  	_ =	sfence  }
0xb8: {  	s30 =	sld [smem:$0x0];
	_ =	sdelay $0x2  }
0xb9: {  	s31 =	sshll.u32 s1, $0xD;
	s1 =	sshrl.u32 s1, $0x2  }
0xba: {  	s3 =	sand.u32 $0x4000, s31;
	s1 =	sadd.s32 s1, s30  }
0xbb: {  	s0 =	sor.u32 s3, s0;
	s1 =	sshll.u32 s1, $0x11  }
0xbc: {  	s0 =	sor.u32 s1, s0  }
0xbd: {  	s0 =	sadd.s32 $0x8F2B, s0  }
0xbe: {  	[sflag:s0] =	ssyncadd.remote.s32 $0x1  }
0xbf: {  	_ =	sfence.sel $0xFFFF  }
0xc0: {  	[dreg:$0x0] =	wrdreg $0xFFFFFFFF;
	(pc) =	sbr.abs _section_cstart, $3  }
0xc1: {  	[dreg:$0x1] =	wrdreg $0xFFFFFFFF  }
0xc2: {  	_ =	task.clear_ibuf [dreg:s7], $0x2FFFF;
	_ =	strace $0x9FFFFFFF  }
0xc3: {  	(tm) =	ssettm $0x7FFFFFFF  }
tec
execute0_lowered:
.L_overlay_start_1:
0x0: {  	(tag) =	ssettag $0x1  }
0x1: {  	v2 =	vlaneseq.u32  }
0x2: {  	v0 =	vmul.u32 $0x10, v2  }
0x3: {  	v1 =	vmul.u32 $0x8, v2  }
0x4: {  	v2 =	vmul.u32 $0x4, v2;
	v3 =	vor.u32 $0x1, v0  }
0x5: {  	v47 =	vor.u32 $0x1, v1;
	[tilespmem:$0x1FEE0] =	vst v3  }
0x6: {  	v48 =	vor.u32 $0x1, v2;
	[tilespmem:$0x1FEF0] =	vst v47  }
0x7: {  	v49 =	vor.u32 $0x2, v0;
	[tilespmem:$0x1FF00] =	vst v48  }
0x8: {  	v50 =	vor.u32 $0x2, v1;
	[tilespmem:$0x1FF10] =	vst v49  }
0x9: {  	v51 =	vor.u32 $0x2, v2;
	[tilespmem:$0x1FF20] =	vst v50  }
0xa: {  	v52 =	vor.u32 $0x3, v0;
	[tilespmem:$0x1FF30] =	vst v51  }
0xb: {  	v53 =	vor.u32 $0x3, v1;
	[tilespmem:$0x1FF40] =	vst v52  }
0xc: {  	s0 =	srdreg.scid;
	s2 =	rddreg [dreg:$0x0];
	v54 =	vor.u32 $0x3, v2;
	[tilespmem:$0x1FF50] =	vst v53  }
0xd: {  	s1 =	rddreg [dreg:$0x1];
	s13 =	stileid.u32;
	v55 =	vor.u32 $0x100, v0;
	[tilespmem:$0x1FF60] =	vst v54  }
0xe: {  	s3 =	rddreg [dreg:$0x2];
	s18 =	simm.s32 $0x6;
	s20 =	simm.s32 $0x140;
	v56 =	vor.u32 $0x80, v1;
	v57 =	vor.u32 $0x40, v2;
	[tilespmem:$0x1FF70] =	vst v55  }
0xf: {  	s21 =	simm.s32 $0x50;
	s22 =	simm.s32 $0x3C0;
	s28 =	simm.s32 $0x4;
	v58 =	vor.u32 $0x101, v0;
	v59 =	vor.u32 $0x81, v1;
	v60 =	vor.u32 $0x41, v2;
	[tilespmem:$0x1FF80] =	vst v56  }
0x10: {  	s29 =	simm.s32 $0x5;
	s30 =	simm.s32 $0x5A10;
	s10 =	smul.u32 $0x14000, s13;
	v61 =	vor.u32 $0x102, v0;
	v62 =	vor.u32 $0x82, v1;
	v63 =	vor.u32 $0x42, v2;
	[tilespmem:$0x1FF90] =	vst v57  }
0x11: {  	s31 =	simm.s32 $0x0;
	s6 =	sadd.s32 $0xBA00, s2;
	s7 =	sadd.s32 $0x1C00, s2;
	v21 =	vor.u32 $0x103, v0;
	v22 =	vor.u32 $0x83, v1;
	v23 =	vor.u32 $0x43, v2;
	[tilespmem:$0x1FFA0] =	vst v58  }
0x12: {  	s0 =	sand.u32 $0x1, s0;
	s8 =	sadd.s32 $0x15800, s2;
	s14 =	sadd.s32 $0x1A800, s2;
	v24 =	vor.u32 $0x200, v0;
	v25 =	vor.u32 $0x100, v1;
	v26 =	vor.u32 $0x80, v2;
	[tilespmem:$0x1FFB0] =	vst v59  }
0x13: {  	s24 =	sshll.u32 s13, $0x6;
	s4 =	sshll.u32 s0, $0x4;
	s9 =	smul.u32 $0x140000, s0;
	v27 =	vor.u32 $0x201, v0;
	v28 =	vor.u32 $0x101, v1;
	v29 =	vor.u32 $0x81, v2;
	[tilespmem:$0x1FFC0] =	vst v60  }
0x14: {  	s0 =	ssub.s32 $0x2, s0;
	s5 =	sor.u32 s13, s4;
	s4 =	simm.s32 $0x0;
	v30 =	vor.u32 $0x202, v0;
	v31 =	vor.u32 $0x102, v1;
	v32 =	vor.u32 $0x82, v2;
	[tilespmem:$0x1FFD0] =	vst v61  }
0x15: {  	s23 =	sshrl.u32 s0, $0x1;
	v33 =	vor.u32 $0x203, v0;
	v34 =	vor.u32 $0x103, v1;
	v35 =	vor.u32 $0x83, v2;
	s5 =	smul.u32 $0x2710, s5;
	[smem:$0x7FF] =	sst s4;
	[tilespmem:$0x1FFE0] =	vst v62  }
0x16: {  	v36 =	vor.u32 $0x300, v0;
	v37 =	vor.u32 $0x180, v1;
	v38 =	vor.u32 $0xC0, v2;
	[tilespmem:$0x1FFF0] =	vst v63;
	s11 =	sadd.s32 s10, s9;
	s9 =	sadd.s32 $0x70800, s2;
	s0 =	ssub.s32 s0, s23  }
0x17: {  	v39 =	vor.u32 $0x301, v0;
	v40 =	vor.u32 $0x181, v1;
	v41 =	vor.u32 $0xC1, v2;
	s10 =	sadd.s32 s10, s3;
	_ =	strace $0x8000004A;
	s11 =	sshrl.u32 s11, $0x3  }
0x18: {  	v42 =	vor.u32 $0x302, v0;
	v43 =	vor.u32 $0x182, v1;
	v44 =	vor.u32 $0xC2, v2;
	[dreg:$0x4] =	wrdreg s14;
	s0 =	smax.u32 s0, $0x1;
	s17 =	sshrl.u32 s10, $0x3  }
0x19: {  	v45 =	vor.u32 $0x303, v0;
	v46 =	vor.u32 $0x183, v1;
	v47 =	vor.u32 $0xC3, v2;
	s12 =	sadd.s32 s5, s2;
	s2 =	sadd.s32 s11, s2;
	s25 =	sshrl.u32 s5, $0x3  }
0x1a: {  	v48 =	vor.u32 $0x400, v0;
	v49 =	vor.u32 $0x200, v1;
	v50 =	vor.u32 $0x100, v2;
	s11 =	sor.u32 $0x1C06, s24;
	[dreg:$0x8] =	wrdreg s0;
	s26 =	sadd.s32 s6, s25  }
0x1b: {  	v51 =	vor.u32 $0x401, v0;
	v52 =	vor.u32 $0x201, v1;
	v53 =	vor.u32 $0x101, v2;
	s24 =	simm.s32 $0x3210;
	s13 =	sadd.s32 s7, s25;
	[dreg:$0x5] =	wrdreg s26  }
0x1c: {  	v18 =	vmovc v0;
	v54 =	vor.u32 $0x402, v0;
	v55 =	vor.u32 $0x202, v1;
	v56 =	vor.u32 $0x102, v2;
	s14 =	sadd.s32 $0x22600, s12;
	s2 =	sadd.s32 $0x97A00, s2;
	[dreg:$0x6] =	wrdreg s13  }
0x1d: {  	v19 =	vmovc v1;
	v20 =	vmovc v2;
	v57 =	vor.u32 $0x403, v0;
	v58 =	vor.u32 $0x203, v1;
	v59 =	vor.u32 $0x103, v2;
	s25 =	simm.s32 $0x2;
	[dreg:$0x7] =	wrdreg s2;
	s26 =	simm.s32 $0x3  }
.LBB2_1:
0x1e: {  	s0 =	rddreg [dreg:$0x4]  }
0x1f: {  	[spmem:s17], [sflag:s11] =	dma.local [hbm:s0], $0x2800  }
0x20: {  	_ =	swait.ge [sflag:s18], $0x2800  }
0x21: {  	[sflag:s18] =	ssyncset.done $0x0  }
0x22: {  	[sflag:s18] =	ssyncadd.s32 $0xFFFFD800  }
0x23: {  	[bflag:$0x0] =	sbarrier.arrive $0xFFFF  }
0x24: {  	s16 =	rddreg [dreg:$0x5]  }
0x25: {  	[tilespmem:s4], [sflag:$0x6] =	stream.linear.gather [hbm4b:s16+s4], $0x50, $0x38;
	[tilespmem:$0x1C210] =	vst v63  }
0x26: {  	_ =	swait.ge [sflag:s18], $0x50  }
0x27: {  	[sflag:s18] =	ssyncset.done $0x0  }
0x28: {  	s2 =	simm.s32 $0xA0;
	s19 =	rddreg [dreg:$0x6];
	[sflag:s18] =	ssyncadd.s32 $0xFFFFFFB0  }
0x29: {  	[tilespmem:s2], [sflag:$0x6] =	stream.linear.gather [hbm4b:s19+s4], $0x50, $0x38;
	[tilespmem:$0x1C210] =	vst v63  }
0x2a: {  	_ =	swait.ge [sflag:s18], $0x50  }
0x2b: {  	[sflag:s18] =	ssyncset.done $0x0  }
0x2c: {  	[sflag:s18] =	ssyncadd.s32 $0xFFFFFFB0  }
0x2d: {  	[tilespmem:s20], [sflag:$0x2] =	stream.linear.gather [hbm4b:s14+s4], $0x280, $0x38;
	[tilespmem:$0x1C210] =	vst v63  }
0x2e: {  	_ = 	snop  }
0x2f: {  	[tilespmem:s22], [sflag:$0x3] =	stream.indirect.gather [hbm4b:s8+s21], $0x10, s4, s21, $0xb8;
	[tilespmem:$0x1C210] =	vst v63  }
0x30: {  	s23 =	simm.s32 $0xA10  }
0x31: {  	[tilespmem:s23], [sflag:$0x4] =	stream.indirect.gather [hbm4b:s1+s21], $0x80, s2, s21, $0xb8;
	[tilespmem:$0x1C210] =	vst v63  }
0x32: {  	s2 =	simm.s32 $0x0  }
.LBB2_2:
0x33: {  	s12 =	sand.u32 $0x1, s2  }
0x34: {  	s10 =	smov.u32 s2;
	s0 =	smul.u32 $0x50, s12  }
0x35: {  	s2 =	sadd.s32 $0x1, s2;
	p0 =	seq.s32 s10, $0x7C  }
0x36: {  	s10 =	smul.u32 @!p0 $0x50, s2;
	s13 =	sadd.s32 $0xA0, s0  }
0x37: {  	[tilespmem:s24], [sflag:$0x5] =	stream.indirect.gather [hbm4b:s9+s21], $0x80, s13, s21, $0xb8;
	[tilespmem:$0x1C210] =	vst v63  }
0x38: {  	s12 =	sxor.u32 $0x1, s12;
	s13 =	sadd.s32 @!p0 s5, s10  }
0x39: {  	s23 =	smul.u32 @!p0 $0x50, s12;
	s13 =	sshrl.u32 @!p0 s13, $0x3  }
0x3a: {  	s15 =	simm.s32 @!p0 $0x0;
	s12 =	sadd.s32 @!p0 s6, s13  }
0x3b: {  	[tilespmem:s23], [sflag:$0x1] =	stream.linear.gather @!p0 [hbm4b:s12+s15], $0x50, $0x38;
	[tilespmem:$0x1C210] =	vst v63  }
0x3c: {  	s13 =	sadd.s32 @!p0 s7, s13;
	s12 =	sadd.s32 @!p0 $0xA0, s23  }
0x3d: {  	[tilespmem:s12], [sflag:$0x1] =	stream.linear.gather @!p0 [hbm4b:s13+s15], $0x50, $0x38;
	[tilespmem:$0x1C210] =	vst v63  }
0x3e: {  	_ =	swait.ge [sflag:s25], $0x280  }
0x3f: {  	[sflag:s25] =	ssyncset.done $0x0  }
0x40: {  	[sflag:s25] =	ssyncadd.s32 $0xFFFFFD80  }
0x41: {  	_ =	swait.ge [sflag:s26], $0x500  }
0x42: {  	[sflag:s26] =	ssyncset.done $0x0  }
0x43: {  	v0 =	vld [tilespmem:$0x1FEE0];
	[sflag:s26] =	ssyncadd.s32 $0xFFFFFB00  }
0x44: {  	v3 =	vld.idx.msk [tilespmem:v18+s22+$0x0], $0xffff  }
0x45: {  	v4 =	vld.idx.msk [tilespmem:v19+s20+$0x0], $0xffff;
	_ =	sdelay $0x4  }
0x46: {  	v3 =	vmul.f32 v4, v3  }
0x47: {  	s13 =	simm.s32 $0x8C0  }
0x48: {  	[tilespmem:v20+s13+$0x0] =	vst.idx.msk $0xffff, v3  }
0x49: {  	v3 =	vld.idx.msk [tilespmem:v0+s22+$0x0], $0xffff  }
0x4a: {  	v0 =	vld [tilespmem:$0x1FEF0];
	_ =	sdelay $0x7  }
0x4b: {  	v4 =	vld.idx.msk [tilespmem:v0+s20+$0x0], $0xffff  }
0x4c: {  	v0 =	vld [tilespmem:$0x1FF00];
	_ =	sdelay $0x5  }
0x4d: {  	v3 =	vmul.f32 v4, v3;
	_ =	sdelay $0x1  }
0x4e: {  	[tilespmem:v0+s13+$0x0] =	vst.idx.msk $0xffff, v3;
	v0 =	vld [tilespmem:$0x1FF10];
	_ =	sdelay $0x7  }
0x4f: {  	v3 =	vld.idx.msk [tilespmem:v0+s22+$0x0], $0xffff  }
0x50: {  	v0 =	vld [tilespmem:$0x1FF20];
	_ =	sdelay $0x7  }
0x51: {  	v4 =	vld.idx.msk [tilespmem:v0+s20+$0x0], $0xffff  }
0x52: {  	v0 =	vld [tilespmem:$0x1FF30];
	_ =	sdelay $0x5  }
0x53: {  	v3 =	vmul.f32 v4, v3;
	_ =	sdelay $0x1  }
0x54: {  	[tilespmem:v0+s13+$0x0] =	vst.idx.msk $0xffff, v3;
	v0 =	vld [tilespmem:$0x1FF40];
	_ =	sdelay $0x7  }
0x55: {  	v3 =	vld.idx.msk [tilespmem:v0+s22+$0x0], $0xffff  }
0x56: {  	v0 =	vld [tilespmem:$0x1FF50];
	_ =	sdelay $0x7  }
0x57: {  	v4 =	vld.idx.msk [tilespmem:v0+s20+$0x0], $0xffff  }
0x58: {  	v0 =	vld [tilespmem:$0x1FF60];
	_ =	sdelay $0x5  }
0x59: {  	v3 =	vmul.f32 v4, v3;
	_ =	sdelay $0x1  }
0x5a: {  	[tilespmem:v0+s13+$0x0] =	vst.idx.msk $0xffff, v3;
	v0 =	vld [tilespmem:$0x1FF70];
	_ =	sdelay $0x7  }
0x5b: {  	v3 =	vld.idx.msk [tilespmem:v0+s22+$0x0], $0xffff  }
0x5c: {  	v0 =	vld [tilespmem:$0x1FF80];
	_ =	sdelay $0x7  }
0x5d: {  	v4 =	vld.idx.msk [tilespmem:v0+s20+$0x0], $0xffff  }
0x5e: {  	v0 =	vld [tilespmem:$0x1FF90];
	_ =	sdelay $0x5  }
0x5f: {  	v3 =	vmul.f32 v4, v3;
	_ =	sdelay $0x1  }
0x60: {  	[tilespmem:v0+s13+$0x0] =	vst.idx.msk $0xffff, v3;
	v0 =	vld [tilespmem:$0x1FFA0];
	_ =	sdelay $0x7  }
0x61: {  	v3 =	vld.idx.msk [tilespmem:v0+s22+$0x0], $0xffff  }
0x62: {  	v0 =	vld [tilespmem:$0x1FFB0];
	_ =	sdelay $0x7  }
0x63: {  	v4 =	vld.idx.msk [tilespmem:v0+s20+$0x0], $0xffff  }
0x64: {  	v0 =	vld [tilespmem:$0x1FFC0];
	_ =	sdelay $0x5  }
0x65: {  	v3 =	vmul.f32 v4, v3;
	_ =	sdelay $0x1  }
0x66: {  	[tilespmem:v0+s13+$0x0] =	vst.idx.msk $0xffff, v3;
	v0 =	vld [tilespmem:$0x1FFD0];
	_ =	sdelay $0x7  }
0x67: {  	v3 =	vld.idx.msk [tilespmem:v0+s22+$0x0], $0xffff  }
0x68: {  	v0 =	vld [tilespmem:$0x1FFE0];
	_ =	sdelay $0x7  }
0x69: {  	v4 =	vld.idx.msk [tilespmem:v0+s20+$0x0], $0xffff  }
0x6a: {  	v0 =	vld [tilespmem:$0x1FFF0];
	_ =	sdelay $0x5  }
0x6b: {  	v3 =	vmul.f32 v4, v3;
	_ =	sdelay $0x1  }
0x6c: {  	[tilespmem:v0+s13+$0x0] =	vst.idx.msk $0xffff, v3  }
0x6d: {  	v3 =	vld.idx.msk [tilespmem:v21+s22+$0x0], $0xffff  }
0x6e: {  	v4 =	vld.idx.msk [tilespmem:v22+s20+$0x0], $0xffff;
	_ =	sdelay $0x4  }
0x6f: {  	v3 =	vmul.f32 v4, v3;
	_ =	sdelay $0x1  }
0x70: {  	[tilespmem:v23+s13+$0x0] =	vst.idx.msk $0xffff, v3  }
0x71: {  	v3 =	vld.idx.msk [tilespmem:v24+s22+$0x0], $0xffff  }
0x72: {  	v4 =	vld.idx.msk [tilespmem:v25+s20+$0x0], $0xffff;
	_ =	sdelay $0x4  }
0x73: {  	v3 =	vmul.f32 v4, v3;
	_ =	sdelay $0x1  }
0x74: {  	[tilespmem:v26+s13+$0x0] =	vst.idx.msk $0xffff, v3  }
0x75: {  	v3 =	vld.idx.msk [tilespmem:v27+s22+$0x0], $0xffff  }
0x76: {  	v4 =	vld.idx.msk [tilespmem:v28+s20+$0x0], $0xffff;
	_ =	sdelay $0x4  }
0x77: {  	v3 =	vmul.f32 v4, v3;
	_ =	sdelay $0x1  }
0x78: {  	[tilespmem:v29+s13+$0x0] =	vst.idx.msk $0xffff, v3  }
0x79: {  	v3 =	vld.idx.msk [tilespmem:v30+s22+$0x0], $0xffff  }
0x7a: {  	v4 =	vld.idx.msk [tilespmem:v31+s20+$0x0], $0xffff;
	_ =	sdelay $0x4  }
0x7b: {  	v3 =	vmul.f32 v4, v3;
	_ =	sdelay $0x1  }
0x7c: {  	[tilespmem:v32+s13+$0x0] =	vst.idx.msk $0xffff, v3  }
0x7d: {  	v3 =	vld.idx.msk [tilespmem:v33+s22+$0x0], $0xffff  }
0x7e: {  	v4 =	vld.idx.msk [tilespmem:v34+s20+$0x0], $0xffff;
	_ =	sdelay $0x4  }
0x7f: {  	v3 =	vmul.f32 v4, v3;
	_ =	sdelay $0x1  }
0x80: {  	[tilespmem:v35+s13+$0x0] =	vst.idx.msk $0xffff, v3  }
0x81: {  	v3 =	vld.idx.msk [tilespmem:v36+s22+$0x0], $0xffff  }
0x82: {  	v4 =	vld.idx.msk [tilespmem:v37+s20+$0x0], $0xffff;
	_ =	sdelay $0x4  }
0x83: {  	v3 =	vmul.f32 v4, v3;
	_ =	sdelay $0x1  }
0x84: {  	[tilespmem:v38+s13+$0x0] =	vst.idx.msk $0xffff, v3  }
0x85: {  	v3 =	vld.idx.msk [tilespmem:v39+s22+$0x0], $0xffff  }
0x86: {  	v4 =	vld.idx.msk [tilespmem:v40+s20+$0x0], $0xffff;
	_ =	sdelay $0x4  }
0x87: {  	v3 =	vmul.f32 v4, v3;
	_ =	sdelay $0x1  }
0x88: {  	[tilespmem:v41+s13+$0x0] =	vst.idx.msk $0xffff, v3  }
0x89: {  	v3 =	vld.idx.msk [tilespmem:v42+s22+$0x0], $0xffff  }
0x8a: {  	v4 =	vld.idx.msk [tilespmem:v43+s20+$0x0], $0xffff;
	_ =	sdelay $0x4  }
0x8b: {  	v3 =	vmul.f32 v4, v3;
	_ =	sdelay $0x1  }
0x8c: {  	[tilespmem:v44+s13+$0x0] =	vst.idx.msk $0xffff, v3  }
0x8d: {  	v3 =	vld.idx.msk [tilespmem:v45+s22+$0x0], $0xffff  }
0x8e: {  	v4 =	vld.idx.msk [tilespmem:v46+s20+$0x0], $0xffff;
	_ =	sdelay $0x4  }
0x8f: {  	v3 =	vmul.f32 v4, v3;
	_ =	sdelay $0x1  }
0x90: {  	[tilespmem:v47+s13+$0x0] =	vst.idx.msk $0xffff, v3  }
0x91: {  	v3 =	vld.idx.msk [tilespmem:v48+s22+$0x0], $0xffff  }
0x92: {  	v4 =	vld.idx.msk [tilespmem:v49+s20+$0x0], $0xffff;
	_ =	sdelay $0x4  }
0x93: {  	v3 =	vmul.f32 v4, v3;
	_ =	sdelay $0x1  }
0x94: {  	[tilespmem:v50+s13+$0x0] =	vst.idx.msk $0xffff, v3  }
0x95: {  	v3 =	vld.idx.msk [tilespmem:v51+s22+$0x0], $0xffff  }
0x96: {  	v4 =	vld.idx.msk [tilespmem:v52+s20+$0x0], $0xffff;
	_ =	sdelay $0x4  }
0x97: {  	v3 =	vmul.f32 v4, v3;
	_ =	sdelay $0x1  }
0x98: {  	[tilespmem:v53+s13+$0x0] =	vst.idx.msk $0xffff, v3  }
0x99: {  	v3 =	vld.idx.msk [tilespmem:v54+s22+$0x0], $0xffff  }
0x9a: {  	v4 =	vld.idx.msk [tilespmem:v55+s20+$0x0], $0xffff;
	_ =	sdelay $0x4  }
0x9b: {  	v3 =	vmul.f32 v4, v3;
	_ =	sdelay $0x1  }
0x9c: {  	[tilespmem:v56+s13+$0x0] =	vst.idx.msk $0xffff, v3  }
0x9d: {  	v3 =	vld.idx.msk [tilespmem:v57+s22+$0x0], $0xffff  }
0x9e: {  	v4 =	vld.idx.msk [tilespmem:v58+s20+$0x0], $0xffff;
	_ =	sdelay $0x4  }
0x9f: {  	v3 =	vmul.f32 v4, v3;
	_ =	sdelay $0x1  }
0xa0: {  	[tilespmem:v59+s13+$0x0] =	vst.idx.msk $0xffff, v3  }
0xa1: {  	_ =	swait.ge [sflag:s28], $0x2800  }
0xa2: {  	[sflag:s28] =	ssyncset.done $0x0  }
0xa3: {  	s15 =	simm.s32 $0x0;
	[sflag:s28] =	ssyncadd.s32 $0xFFFFD800  }
0xa4: {  	v61 =	vld [tilespmem:s15+$0xA10]  }
0xa5: {  	v3 =	vld [tilespmem:s15+$0xA50]  }
0xa6: {  	v4 =	vld [tilespmem:s15+$0xA20]  }
0xa7: {  	v62 =	vld [tilespmem:s15+$0xA60]  }
0xa8: {  	v5 =	vld [tilespmem:s15+$0xA30]  }
0xa9: {  	v60 =	vld [tilespmem:s15+$0xA70]  }
0xaa: {  	s19 =	simm.s32 $0x200;
	v63 =	vld [tilespmem:s13+$0x0]  }
.LBB2_3:
0xab: {  	p1 =	sne.s32 s19, $0x9E00;
	v6 =	vunpack.i.u.bf16.f32 v61;
	v7 =	vld [tilespmem:s15+$0xA40]  }
0xac: {  	v61 =	vunpack.i.l.bf16.f32 v61;
	v8 =	vunpack.i.u.bf16.f32 v3;
	v3 =	vunpack.i.l.bf16.f32 v3;
	v0 =	vld [tilespmem:s15+$0xA80]  }
0xad: {  	v1 =	vunpack.i.u.bf16.f32 v4;
	v4 =	vunpack.i.l.bf16.f32 v4;
	v2 =	vunpack.i.u.bf16.f32 v62  }
0xae: {  	v62 =	vunpack.i.l.bf16.f32 v62;
	v9 =	vunpack.i.u.bf16.f32 v5;
	v5 =	vunpack.i.l.bf16.f32 v5  }
0xaf: {  	v11 =	vunpack.i.u.bf16.f32 v60;
	v10 =	vbroadcast v63, $0x0;
	v63 =	vbroadcast v63, $0x1  }
0xb0: {  	v60 =	vunpack.i.l.bf16.f32 v60;
	v12 =	vunpack.i.u.bf16.f32 v7;
	v7 =	vunpack.i.l.bf16.f32 v7  }
0xb1: {  	v61 =	vmul.f32 v61, v10;
	v3 =	vmul.f32 v3, v63;
	v13 =	vunpack.i.u.bf16.f32 v0  }
0xb2: {  	v6 =	vmul.f32 v6, v10;
	v8 =	vmul.f32 v8, v63;
	v0 =	vunpack.i.l.bf16.f32 v0  }
0xb3: {  	v4 =	vmul.f32 v4, v10;
	v3 =	vadd.f32 v3, v61;
	v61 =	vmul.f32 v62, v63  }
0xb4: {  	v1 =	vmul.f32 v1, v10;
	v2 =	vmul.f32 v2, v63;
	v6 =	vadd.f32 v8, v6  }
0xb5: {  	[tilespmem:s15+$0x5A10] =	vst v3;
	v3 =	vadd.f32 v61, v4;
	v4 =	vmul.f32 v5, v10;
	v5 =	vmul.f32 v60, v63  }
0xb6: {  	s16 =	sshra.s32 s19, $0x2;
	v1 =	vadd.f32 v2, v1;
	v2 =	vmul.f32 v9, v10;
	[tilespmem:s15+$0x5A50] =	vst v6;
	v6 =	vmul.f32 v11, v63  }
0xb7: {  	v7 =	vmul.f32 v7, v10;
	v0 =	vmul.f32 v0, v63;
	v61 =	vld [tilespmem:s16+$0xA10];
	[tilespmem:s15+$0x5A20] =	vst v3;
	v5 =	vadd.f32 v5, v4  }
0xb8: {  	v3 =	vld [tilespmem:s16+$0xA50];
	[tilespmem:s15+$0x5A60] =	vst v1;
	v1 =	vadd.f32 v6, v2;
	v2 =	vmul.f32 v12, v10;
	v6 =	vmul.f32 v13, v63  }
.Ltmp0:
0xb9: {  	v0 =	vadd.f32 v0, v7;
	v4 =	vld [tilespmem:s16+$0xA20];
	[tilespmem:s15+$0x5A30] =	vst v5;
	(pc) =	sbr.rel @p1 .LBB2_3-.Ltmp0, $4  }
0xba: {  	v62 =	vld [tilespmem:s16+$0xA60];
	[tilespmem:s15+$0x5A70] =	vst v1;
	v1 =	vadd.f32 v6, v2  }
0xbb: {  	v5 =	vld [tilespmem:s16+$0xA30];
	[tilespmem:s15+$0x5A40] =	vst v0  }
0xbc: {  	s13 =	sadd.s32 $0x4, s13;
	v60 =	vld [tilespmem:s16+$0xA70];
	[tilespmem:s15+$0x5A80] =	vst v1;
	s15 =	smov.u32 s16  }
0xbd: {  	s19 =	sadd.s32 $0x200, s19;
	v63 =	vld [tilespmem:s13+$0x0]  }
0xbe: {  	v0 =	vunpack.i.u.bf16.f32 v61;
	v1 =	vld [tilespmem:s15+$0xA40]  }
0xbf: {  	v2 =	vunpack.i.l.bf16.f32 v61;
	v6 =	vunpack.i.u.bf16.f32 v3;
	v3 =	vunpack.i.l.bf16.f32 v3;
	v7 =	vld [tilespmem:s15+$0xA80]  }
0xc0: {  	v8 =	vunpack.i.u.bf16.f32 v4;
	v4 =	vunpack.i.l.bf16.f32 v4;
	v9 =	vunpack.i.u.bf16.f32 v62  }
0xc1: {  	v10 =	vunpack.i.l.bf16.f32 v62;
	v11 =	vunpack.i.u.bf16.f32 v5;
	v5 =	vunpack.i.l.bf16.f32 v5  }
0xc2: {  	v61 =	vunpack.i.u.bf16.f32 v60;
	v12 =	vbroadcast v63, $0x0;
	v13 =	vbroadcast v63, $0x1  }
0xc3: {  	v60 =	vunpack.i.l.bf16.f32 v60;
	v62 =	vunpack.i.u.bf16.f32 v1;
	v1 =	vunpack.i.l.bf16.f32 v1  }
0xc4: {  	v14 =	vunpack.i.u.bf16.f32 v7;
	v2 =	vmul.f32 v2, v12;
	v3 =	vmul.f32 v3, v13  }
0xc5: {  	v7 =	vunpack.i.l.bf16.f32 v7;
	v0 =	vmul.f32 v0, v12;
	v6 =	vmul.f32 v6, v13  }
0xc6: {  	v2 =	vadd.f32 v3, v2;
	v3 =	vmul.f32 v4, v12;
	v4 =	vmul.f32 v10, v13  }
0xc7: {  	v15 =	vmul.f32 v9, v13;
	v0 =	vadd.f32 v6, v0;
	v6 =	vmul.f32 v8, v12  }
0xc8: {  	[tilespmem:s15+$0x5A10] =	vst v2;
	v2 =	vadd.f32 v4, v3;
	v3 =	vmul.f32 v5, v12;
	v4 =	vmul.f32 v60, v13  }
0xc9: {  	[tilespmem:s15+$0x5A50] =	vst v0;
	v0 =	vadd.f32 v15, v6;
	v5 =	vmul.f32 v11, v12;
	v6 =	vmul.f32 v61, v13  }
0xca: {  	v1 =	vmul.f32 v1, v12;
	[tilespmem:s15+$0x5A20] =	vst v2;
	v2 =	vadd.f32 v4, v3;
	v3 =	vmul.f32 v7, v13  }
0xcb: {  	[tilespmem:s15+$0x5A60] =	vst v0;
	v0 =	vadd.f32 v6, v5;
	v4 =	vmul.f32 v62, v12;
	v5 =	vmul.f32 v14, v13  }
0xcc: {  	[tilespmem:s15+$0x5A30] =	vst v2;
	v1 =	vadd.f32 v3, v1  }
0xcd: {  	[tilespmem:s15+$0x5A70] =	vst v0;
	v0 =	vadd.f32 v5, v4  }
0xce: {  	[tilespmem:s15+$0x5A40] =	vst v1  }
0xcf: {  	[tilespmem:s15+$0x5A80] =	vst v0  }
0xd0: {  	_ =	swait.ge [sflag:s29], $0x2800  }
0xd1: {  	[sflag:s29] =	ssyncset.done $0x0  }
0xd2: {  	s13 =	simm.s32 @!p0 $0x1;
	[sflag:s29] =	ssyncadd.s32 $0xFFFFD800  }
0xd3: {  	_ =	swait.ge @!p0 [sflag:s13], $0x50  }
0xd4: {  	[sflag:s13] =	ssyncset.done @!p0 $0x0  }
0xd5: {  	[sflag:s13] =	ssyncadd.s32 @!p0 $0xFFFFFFB0  }
0xd6: {  	_ =	swait.ge @!p0 [sflag:s13], $0x50  }
0xd7: {  	s10 =	sadd.s32 @!p0 s10, s14;
	[sflag:s13] =	ssyncset.done @!p0 $0x0  }
0xd8: {  	s15 =	simm.s32 @!p0 $0x140;
	[sflag:s13] =	ssyncadd.s32 @!p0 $0xFFFFFFB0;
	s13 =	simm.s32 @!p0 $0x0  }
0xd9: {  	[tilespmem:s15], [sflag:$0x2] =	stream.linear.gather @!p0 [hbm4b:s10+s13], $0x280, $0x38;
	[tilespmem:$0x1C210] =	vst v63  }
0xda: {  	s10 =	simm.s32 @!p0 $0x50;
	s13 =	simm.s32 @!p0 $0x3C0  }
0xdb: {  	[tilespmem:s13], [sflag:$0x3] =	stream.indirect.gather @!p0 [hbm4b:s8+s10], $0x10, s23, s10, $0xb8;
	[tilespmem:$0x1C210] =	vst v63  }
0xdc: {  	s13 =	simm.s32 @!p0 $0xA10  }
0xdd: {  	[tilespmem:s13], [sflag:$0x4] =	stream.indirect.gather @!p0 [hbm4b:s1+s10], $0x80, s12, s10, $0xb8;
	[tilespmem:$0x1C210] =	vst v63  }
0xde: {  	s10 =	simm.s32 $0x0  }
0xdf: {  	v5 =	vld [tilespmem:s10+$0x3250]  }
0xe0: {  	v4 =	vld [tilespmem:s10+$0x3260]  }
0xe1: {  	v63 =	vld [tilespmem:s10+$0x3270]  }
0xe2: {  	v60 =	vld [tilespmem:s10+$0x3280]  }
0xe3: {  	v3 =	vld [tilespmem:s10+$0x3210]  }
0xe4: {  	s12 =	simm.s32 $0x8C0;
	v61 =	vld [tilespmem:s10+$0x3220]  }
0xe5: {  	s13 =	simm.s32 $0x200;
	v62 =	vld [tilespmem:s12+$0x0]  }
.LBB2_5:
0xe6: {  	p0 =	sne.s32 s13, $0x9E00;
	v0 =	vld [tilespmem:s10+$0x3230]  }
0xe7: {  	v1 =	vunpack.i.u.bf16.f32 v5;
	v2 =	vunpack.i.l.bf16.f32 v5;
	v5 =	vunpack.i.u.bf16.f32 v4;
	v6 =	vld [tilespmem:s10+$0x3240]  }
0xe8: {  	v4 =	vunpack.i.l.bf16.f32 v4;
	v8 =	vunpack.i.u.bf16.f32 v63;
	v9 =	vunpack.i.l.bf16.f32 v63;
	v7 =	vld [tilespmem:s10+$0x5A20]  }
0xe9: {  	v12 =	vunpack.i.u.bf16.f32 v60;
	v13 =	vunpack.i.l.bf16.f32 v60;
	v10 =	vunpack.i.u.bf16.f32 v3;
	v11 =	vld [tilespmem:s10+$0x5A10]  }
0xea: {  	v3 =	vunpack.i.l.bf16.f32 v3;
	v14 =	vunpack.i.u.bf16.f32 v61;
	v60 =	vbroadcast v62, $0x2;
	v63 =	vld [tilespmem:s10+$0x5A50]  }
0xeb: {  	v61 =	vunpack.i.l.bf16.f32 v61;
	v15 =	vunpack.i.u.bf16.f32 v0;
	v0 =	vunpack.i.l.bf16.f32 v0  }
0xec: {  	v62 =	vbroadcast v62, $0x3;
	v3 =	vmul.f32 v3, v60;
	v16 =	vunpack.i.u.bf16.f32 v6  }
0xed: {  	v10 =	vmul.f32 v10, v60;
	v61 =	vmul.f32 v61, v60;
	v6 =	vunpack.i.l.bf16.f32 v6;
	v17 =	vld [tilespmem:s10+$0x5A60]  }
0xee: {  	v2 =	vmul.f32 v2, v62;
	v1 =	vmul.f32 v1, v62;
	v3 =	vadd.f32 v11, v3;
	v11 =	vld [tilespmem:s10+$0x5A30]  }
0xef: {  	v4 =	vmul.f32 v4, v62;
	v7 =	vadd.f32 v7, v61;
	v10 =	vadd.f32 v63, v10;
	v61 =	vld [tilespmem:s10+$0x5A70]  }
0xf0: {  	v5 =	vmul.f32 v5, v62;
	v2 =	vadd.f32 v3, v2;
	v3 =	vmul.f32 v14, v60;
	v14 =	vld [tilespmem:s10+$0x5A40]  }
0xf1: {  	v0 =	vmul.f32 v0, v60;
	v4 =	vadd.f32 v7, v4;
	v1 =	vadd.f32 v10, v1  }
0xf2: {  	v7 =	vmul.f32 v15, v60;
	[tilespmem:s10+$0x5A10] =	vst v2;
	v2 =	vadd.f32 v17, v3;
	v3 =	vmul.f32 v9, v62;
	v9 =	vld [tilespmem:s10+$0x5A80]  }
0xf3: {  	v6 =	vmul.f32 v6, v60;
	[tilespmem:s10+$0x5A50] =	vst v1;
	v0 =	vadd.f32 v11, v0;
	v1 =	vmul.f32 v8, v62  }
0xf4: {  	[tilespmem:s10+$0x5A20] =	vst v4;
	v2 =	vadd.f32 v2, v5;
	v4 =	vadd.f32 v61, v7;
	v7 =	vmul.f32 v13, v62  }
0xf5: {  	s15 =	sshra.s32 s13, $0x2;
	v0 =	vadd.f32 v0, v3;
	v3 =	vadd.f32 v14, v6;
	v6 =	vmul.f32 v16, v60  }
0xf6: {  	v5 =	vld [tilespmem:s15+$0x3250];
	[tilespmem:s10+$0x5A60] =	vst v2;
	v1 =	vadd.f32 v4, v1;
	v2 =	vmul.f32 v12, v62  }
0xf7: {  	v4 =	vld [tilespmem:s15+$0x3260];
	[tilespmem:s10+$0x5A30] =	vst v0;
	v0 =	vadd.f32 v3, v7;
	v3 =	vadd.f32 v9, v6  }
.Ltmp1:
0xf8: {  	v63 =	vld [tilespmem:s15+$0x3270];
	[tilespmem:s10+$0x5A70] =	vst v1;
	(pc) =	sbr.rel @p0 .LBB2_5-.Ltmp1, $4  }
0xf9: {  	v60 =	vld [tilespmem:s15+$0x3280];
	[tilespmem:s10+$0x5A40] =	vst v0;
	v0 =	vadd.f32 v3, v2  }
0xfa: {  	v3 =	vld [tilespmem:s15+$0x3210]  }
0xfb: {  	s12 =	sadd.s32 $0x4, s12;
	v61 =	vld [tilespmem:s15+$0x3220];
	[tilespmem:s10+$0x5A80] =	vst v0;
	s10 =	smov.u32 s15  }
0xfc: {  	s13 =	sadd.s32 $0x200, s13;
	v62 =	vld [tilespmem:s12+$0x0]  }
0xfd: {  	_ =	sdelay $0x1  }
0xfe: {  	v0 =	vld [tilespmem:s10+$0x3230];
	v1 =	vunpack.i.u.bf16.f32 v5;
	v2 =	vunpack.i.l.bf16.f32 v5;
	v5 =	vunpack.i.u.bf16.f32 v4  }
0xff: {  	v6 =	vld [tilespmem:s10+$0x5A10];
	v4 =	vunpack.i.l.bf16.f32 v4;
	v8 =	vunpack.i.u.bf16.f32 v63;
	v11 =	vunpack.i.l.bf16.f32 v63  }
0x100: {  	v7 =	vld [tilespmem:s10+$0x3240];
	v13 =	vunpack.i.u.bf16.f32 v60;
	v16 =	vunpack.i.l.bf16.f32 v60;
	v9 =	vbroadcast v62, $0x2  }
0x101: {  	v10 =	vld [tilespmem:s10+$0x5A20];
	v12 =	vunpack.i.u.bf16.f32 v3;
	v63 =	vunpack.i.l.bf16.f32 v3;
	v15 =	vbroadcast v62, $0x3  }
0x102: {  	v14 =	vld [tilespmem:s10+$0x5A50];
	v17 =	vunpack.i.u.bf16.f32 v61;
	v60 =	vunpack.i.l.bf16.f32 v61;
	v3 =	vmul.f32 v63, v9  }
0x103: {  	v61 =	vunpack.i.u.bf16.f32 v0;
	v0 =	vunpack.i.l.bf16.f32 v0;
	v2 =	vmul.f32 v2, v15  }
0x104: {  	v62 =	vld [tilespmem:s10+$0x5A60];
	v3 =	vadd.f32 v6, v3;
	v6 =	vmul.f32 v12, v9;
	v12 =	vmul.f32 v60, v9  }
0x105: {  	v63 =	vunpack.i.u.bf16.f32 v7;
	v1 =	vmul.f32 v1, v15;
	v4 =	vmul.f32 v4, v15;
	v60 =	vld [tilespmem:s10+$0x5A30]  }
0x106: {  	v7 =	vunpack.i.l.bf16.f32 v7;
	v2 =	vadd.f32 v3, v2;
	v3 =	vld [tilespmem:s10+$0x5A70];
	v10 =	vadd.f32 v10, v12  }
0x107: {  	v5 =	vmul.f32 v5, v15;
	v6 =	vadd.f32 v14, v6;
	v12 =	vld [tilespmem:s10+$0x5A40];
	v14 =	vmul.f32 v17, v9  }
0x108: {  	v0 =	vmul.f32 v0, v9;
	v61 =	vmul.f32 v61, v9;
	[tilespmem:s10+$0x5A10] =	vst v2;
	v2 =	vadd.f32 v10, v4;
	v4 =	vld [tilespmem:s10+$0x5A80]  }
0x109: {  	v8 =	vmul.f32 v8, v15;
	v1 =	vadd.f32 v6, v1;
	v62 =	vadd.f32 v62, v14  }
0x10a: {  	v7 =	vmul.f32 v7, v9;
	v14 =	vmul.f32 v11, v15;
	v0 =	vadd.f32 v60, v0  }
0x10b: {  	v9 =	vmul.f32 v63, v9;
	[tilespmem:s10+$0x5A50] =	vst v1;
	v62 =	vadd.f32 v62, v5;
	v3 =	vadd.f32 v3, v61  }
0x10c: {  	v11 =	vmul.f32 v16, v15;
	[tilespmem:s10+$0x5A20] =	vst v2;
	v0 =	vadd.f32 v0, v14;
	v14 =	vadd.f32 v12, v7  }
0x10d: {  	v61 =	vmul.f32 v13, v15;
	[tilespmem:s10+$0x5A60] =	vst v62;
	v60 =	vadd.f32 v3, v8;
	v4 =	vadd.f32 v4, v9  }
0x10e: {  	[tilespmem:s10+$0x5A30] =	vst v0;
	v62 =	vadd.f32 v14, v11  }
0x10f: {  	[tilespmem:s10+$0x5A70] =	vst v60;
	v63 =	vadd.f32 v4, v61  }
0x110: {  	p0 =	sne.s32 s2, $0x7D;
	[tilespmem:s10+$0x5A40] =	vst v62  }
.Ltmp2:
0x111: {  	[tilespmem:s10+$0x5A80] =	vst v63;
	(pc) =	sbr.rel @p0 .LBB2_2-.Ltmp2, $4  }
0x112: {  	[spmem:s3] =	stream.indirect.scatter.add.f32 [tilespmem:s30], [sflag:$0x6], $0x80, s0, s21, $0xb8;
	[tilespmem:$0x1C210] =	vst v63  }
0x113: {  	_ =	swait.ge [sflag:s18], $0x2800  }
0x114: {  	[sflag:s18] =	ssyncset.done $0x0  }
0x115: {  	[sflag:s18] =	ssyncadd.s32 $0xFFFFD800  }
0x116: {  	[bflag:$0x0] =	sbarrier.arrive $0xFFFF  }
0x117: {  	s0 =	rddreg [dreg:$0x7]  }
0x118: {  	[hbm:s0], [sflag:s11] =	dma.local [spmem:s17], $0x2800  }
0x119: {  	_ =	swait.ge [sflag:s18], $0x2800  }
0x11a: {  	s31 =	sadd.s32 $0x1, s31;
	s23 =	rddreg [dreg:$0x8]  }
0x11b: {  	p0 =	sne.s32 s31, s23  }
.Ltmp3:
0x11c: {  	_ = 	snop;
	(pc) =	sbr.rel @p0 .LBB2_1-.Ltmp3, $3  }
0x11d: {  	_ =	sdelay $0x1  }
0x11e: {  	[sflag:s18] =	ssyncset.done $0x0  }
0x11f: {  	[sflag:s18] =	ssyncadd.s32 $0xFFFFD800  }
0x120: {  	_ =	sfence.sel $0x180000  }
0x121: {  	[bflag:$0x0] =	sbarrier.arrive $0xFFFF  }
0x122: {  	_ =	strace $0x9000004A  }
0x123: {  	s0 =	stileid.u32;
	[bflag:$0x2] =	sbarrier.arrive $0xFFFF  }
0x124: {  	p0 =	sne.s32 s0, $0x0;
	s0 =	rddreg [dreg:$0x3]  }
0x125: {  	s0 =	sadd.s32 @!p0 $0x100000, s0  }
0x126: {  	[sflag:s0] =	ssyncadd.tile.s32 @!p0 $0x1;
	_ =	shalt  }
.Lfunc_end2:
_tile_overlayer_lowered:
.L_overlay_start_2:
0x127: {  	(tag) =	ssettag $0x2  }
0x128: {  	s0 =	rddreg [dreg:$0x0];
	s2 =	stileid.u32  }
0x129: {  	s1 =	rddreg [dreg:$0x1];
	p0 =	sne.s32 s2, $0x0  }
0x12a: {  	s3 =	rddreg [dreg:$0x2];
	[bflag:$0x3] =	sbarrier.arrive $0xFFFF;
	s2 =	simm.s32 @!p0 $0x1C06  }
0x12b: {  	[timem:s3], [sflag:s2] =	dma.local @!p0 [hbm:s0], s1  }
0x12c: {  	s0 =	simm.s32 @!p0 $0x6  }
0x12d: {  	_ =	swait.ge @!p0 [sflag:s0], s1  }
0x12e: {  	s1 =	ssub.s32 @!p0 $0x0, s1;
	[sflag:s0] =	ssyncset.done @!p0 $0x0  }
0x12f: {  	[sflag:s0] =	ssyncadd.s32 @!p0 s1  }
0x130: {  	[bflag:$0x3] =	sbarrier.arrive $0xFFFF  }
0x131: {  	_ =	shalt  }

// kernel: kernel.7.cloned.1.call-start
scs
__scs_entry_jumppad:
0x0: {  	(pc) =	sbr.rel $0x88, $3  }
0x1: {  	(tag) =	ssettag $0x0;
	lr =	simm.s32 $0x1  }
0x2: {  	[smem:$0x3F9D] =	sst lr;
	_ =	strace $0xD0000000  }
0x3: {  	_ = 	snop  }
0x4: {  	_ = 	snop  }
0x5: {  	_ = 	snop  }
0x6: {  	_ = 	snop  }
0x7: {  	_ = 	snop  }
__scs_overlays_trampoline_lowered:
0x8: {  	[smem:$0x3FAC] =	sst s0  }
0x9: {  	[smem:$0x3FAD] =	sst s1  }
0xa: {  	[smem:$0x3FAE] =	sst s2  }
0xb: {  	[smem:$0x3FAF] =	sst s3  }
0xc: {  	[smem:$0x3FB0] =	sst s4  }
0xd: {  	[smem:$0x3FB1] =	sst s5  }
0xe: {  	[smem:$0x3FB2] =	sst s6  }
0xf: {  	[smem:$0x3FB3] =	sst s7  }
0x10: {  	[smem:$0x3FB4] =	sst s8  }
0x11: {  	[smem:$0x3FB5] =	sst s9;
	s0 =	simm.s32 @!p0 $0x0  }
0x12: {  	s1 =	sld [smem:$0x3F9B];
	s0 =	simm.s32 @p0 $0x1  }
0x13: {  	[smem:$0x3FB6] =	sst s0;
	s0 =	simm.s32 @!p1 $0x0  }
0x14: {  	s2 =	sld [smem:$0x3F9A];
	s0 =	simm.s32 @p1 $0x1  }
0x15: {  	[smem:$0x3FB7] =	sst s0;
	s0 =	simm.s32 @!p2 $0x0  }
0x16: {  	s3 =	sld [smem:$0x3FDB];
	s0 =	simm.s32 @p2 $0x1  }
0x17: {  	s4 =	simm.s32 $0x1BF5;
	[smem:$0x3FB9] =	sst s0  }
0x18: {  	s0 =	sld [smem:$0x3F9C];
	_ =	swait.ge [sflag:s4], $0x0  }
0x19: {  	s7 =	sld [smem:$0x3F9D]  }
0x1a: {  	s8 =	sadd.s32 $0xFFFFE003, lr  }
0x1b: {  	s9 =	sadd.s32 $0xFFFFFEF7, lr;
	s5 =	simm.s32 $0xFFFFFFFF;
	p2 =	slt.u32 s8, $0xFFFFF086  }
0x1c: {  	p1 =	slt.u32 s9, $0xF7A;
	s5 =	simm.s32 @!p2 $0x0  }
0x1d: {  	s5 =	simm.s32 @p1 $0x1;
	p0 =	seq.s32 s7, s2  }
0x1e: {  	s7 =	smul.u32 @!p0 $0xF7A, s2;
	p2 =	seq.s32 @!p0 s5, $0x0  }
0x1f: {  	s9 =	smul.u32 $0xF7A, s1;
	s8 =	simm.s32 @!p0 $0x1BF5;
	p2 =	por !p2, p0  }
0x20: {  	[sflag:s8] =	ssyncset.s32 @!p0 $0xFFFFF086;
	s6 =	sadd.s32 @!p0 s3, s7;
	s7 =	simm.s32 @!p0 $0x108  }
0x21: {  	s3 =	sadd.s32 s3, s9;
	s6 =	sadd.s32 @!p0 $0x88, s6;
	s7 =	simm.s32 @p2 $0x1082  }
0x22: {  	[simem:s7], [sflag:s8] =	dma.local @!p0 [hbm:s6], $0xF7A  }
0x23: {  	s9 =	sor.u32 $0xD0000000, s2;
	s6 =	simm.s32 $0x108;
	_ =	swait.ge @!p0 [sflag:s8], $0x0  }
0x24: {  	s3 =	sadd.s32 $0x88, s3;
	s6 =	simm.s32 @!p1 $0x1082;
	[sflag:s4] =	ssyncset.s32 $0xFFFFF086  }
0x25: {  	[simem:s6], [sflag:s4] =	dma.local [hbm:s3], $0xF7A  }
0x26: {  	[smem:$0x3F9D] =	sst s1;
	(tag) =	ssettag s2;
	_ =	strace s9  }
0x27: {  	s1 =	sld [smem:$0x3FAD]  }
0x28: {  	s2 =	sld [smem:$0x3FAE]  }
0x29: {  	s4 =	sld [smem:$0x3FB0]  }
0x2a: {  	p0 =	seq.s32 s5, $0x0;
	s5 =	sld [smem:$0x3FB1]  }
0x2b: {  	s6 =	sld [smem:$0x3FB2]  }
0x2c: {  	s7 =	sld [smem:$0x3FB3]  }
0x2d: {  	s3 =	simm.s32 $0x108;
	s8 =	sld [smem:$0x3FB4]  }
0x2e: {  	s3 =	simm.s32 @!p0 $0x1082;
	s9 =	sld [smem:$0x3FB5]  }
0x2f: {  	lr =	sadd.s32 s0, s3;
	s0 =	sld [smem:$0x3FAC]  }
0x30: {  	s3 =	sld [smem:$0x3FAF]  }
0x31: {  	[smem:$0x3FB8] =	sst s10  }
0x32: {  	s10 =	sld [smem:$0x3FB6];
	_ =	sdelay $0x3  }
0x33: {  	p0 =	seq.s32 s10, $0x1;
	s10 =	sld [smem:$0x3FB8];
	_ =	sdelay $0x3  }
0x34: {  	[smem:$0x3FB8] =	sst s10  }
0x35: {  	s10 =	sld [smem:$0x3FB7];
	_ =	sdelay $0x3  }
0x36: {  	p1 =	seq.s32 s10, $0x1;
	s10 =	sld [smem:$0x3FB8];
	_ =	sdelay $0x3  }
0x37: {  	[smem:$0x3FB8] =	sst s10  }
0x38: {  	s10 =	sld [smem:$0x3FB9]  }
0x39: {  	_ = 	snop;
	(pc) =	sbr.ind lr, $3  }
0x3a: {  	_ = 	snop  }
0x3b: {  	_ = 	snop  }
0x3c: {  	p2 =	seq.s32 s10, $0x1;
	s10 =	sld [smem:$0x3FB8]  }
0x3d: {  	_ =	shalt  }
0x3e: {  	_ =	shalt  }
0x3f: {  	_ =	shalt  }
0x40: {  	_ =	shalt  }
0x41: {  	_ =	shalt  }
0x42: {  	_ =	shalt  }
0x43: {  	_ =	shalt  }
0x44: {  	_ =	shalt  }
0x45: {  	_ =	shalt  }
0x46: {  	_ =	shalt  }
0x47: {  	_ =	shalt  }
0x48: {  	_ =	shalt  }
0x49: {  	_ =	shalt  }
0x4a: {  	_ =	shalt  }
0x4b: {  	_ =	shalt  }
0x4c: {  	_ =	shalt  }
0x4d: {  	_ =	shalt  }
0x4e: {  	_ =	shalt  }
0x4f: {  	_ =	shalt  }
0x50: {  	_ =	shalt  }
0x51: {  	_ =	shalt  }
0x52: {  	_ =	shalt  }
0x53: {  	_ =	shalt  }
0x54: {  	_ =	shalt  }
0x55: {  	_ =	shalt  }
0x56: {  	_ =	shalt  }
0x57: {  	_ =	shalt  }
0x58: {  	_ =	shalt  }
0x59: {  	_ =	shalt  }
0x5a: {  	_ =	shalt  }
0x5b: {  	_ =	shalt  }
0x5c: {  	_ =	shalt  }
0x5d: {  	_ =	shalt  }
0x5e: {  	_ =	shalt  }
0x5f: {  	_ =	shalt  }
0x60: {  	_ =	shalt  }
0x61: {  	_ =	shalt  }
0x62: {  	_ =	shalt  }
0x63: {  	_ =	shalt  }
0x64: {  	_ =	shalt  }
0x65: {  	_ =	shalt  }
0x66: {  	_ =	shalt  }
0x67: {  	_ =	shalt  }
0x68: {  	_ =	shalt  }
0x69: {  	_ =	shalt  }
0x6a: {  	_ =	shalt  }
0x6b: {  	_ =	shalt  }
0x6c: {  	_ =	shalt  }
0x6d: {  	_ =	shalt  }
0x6e: {  	_ =	shalt  }
0x6f: {  	_ =	shalt  }
0x70: {  	_ =	shalt  }
0x71: {  	_ =	shalt  }
0x72: {  	_ =	shalt  }
0x73: {  	_ =	shalt  }
0x74: {  	_ =	shalt  }
0x75: {  	_ =	shalt  }
0x76: {  	_ =	shalt  }
0x77: {  	_ =	shalt  }
0x78: {  	_ =	shalt  }
0x79: {  	_ =	shalt  }
0x7a: {  	_ =	shalt  }
0x7b: {  	_ =	shalt  }
0x7c: {  	_ =	shalt  }
0x7d: {  	_ =	shalt  }
0x7e: {  	_ =	shalt  }
0x7f: {  	_ =	shalt  }
0x80: {  	_ =	shalt  }
0x81: {  	_ =	shalt  }
0x82: {  	_ =	shalt  }
0x83: {  	_ =	shalt  }
0x84: {  	_ =	shalt  }
0x85: {  	_ =	shalt  }
0x86: {  	_ =	shalt  }
0x87: {  	_ =	shalt  }
.Lfunc_end0:
.L_simem_size_0:
called_computation_lowered:
.L_overlay_start_0:
0x88: {  	s2 =	sld [smem:$0x3FD9]  }
0x89: {  	s3 =	sld [smem:$0x3FFE];
	_ =	sdelay $0x1  }
0x8a: {  	s1 =	srdreg.scid  }
0x8b: {  	s0 =	sand.u32 $0x1, s1  }
0x8c: {  	s16 =	sshll.u32 s0, $0xA;
	s2 =	sadd.s32 s3, s2  }
0x8d: {  	s2 =	sadd.s32 s2, s16  }
0x8e: {  	[smem:$0x3FC4] =	sst s2  }
0x8f: {  	_ = 	snop  }
0x90: {  	(tm) =	ssettm $0x1  }
0x91: {  	s17 =	sld [smem:$0x3FFB];
	_ =	sdelay $0x3  }
0x92: {  	_ =	strace s17  }
0x93: {  	s2 =	sld [smem:$0x3FFC];
	_ =	sdelay $0x3  }
0x94: {  	_ =	strace s2  }
0x95: {  	s2 =	sld [smem:$0x3FFD];
	_ =	sdelay $0x3  }
0x96: {  	_ =	strace s2  }
0x97: {  	_ =	strace $0x8FFFFFFF  }
0x98: {  	s18 =	sld [smem:$0x3FDB];
	_ =	sdelay $0x1  }
0x99: {  	s19 =	simm.s32 $_scs_section_size  }
0x9a: {  	s4 =	simm.s32 $_size__tile_overlayer_lowered;
	s5 =	simm.s32 $_tile_overlayer_lowered  }
0x9b: {  	s22 =	simm.s32 $0x1BFF;
	s21 =	sshll.u32 s5, $0x1;
	s2 =	sadd.s32 s19, s18  }
0x9c: {  	s6 =	simm.s32 $0x0;
	s20 =	sshll.u32 s4, $0x1;
	s4 =	sadd.s32 s21, s2  }
0x9d: {  	[timem:s6], [sflag:s22] =	dma.local [hbm:s4], s20  }
0x9e: {  	_ =	swait.ge [sflag:s22], s20  }
0x9f: {  	s3 =	ssub.s32 $0x0, s20;
	[sflag:s22] =	ssyncset.done $0x0  }
0xa0: {  	[sflag:s22] =	ssyncadd.s32 s3;
	_ =	sdelay $0x1  }
0xa1: {  	s23 =	simm.s32 $0x1B8B  }
0xa2: {  	_ =	swait.ge [sflag:s23], $0x1  }
0xa3: {  	[sflag:s23] =	ssyncset.done $0x0  }
0xa4: {  	s25 =	simm.s32 $0x1B8E;
	s24 =	sld [smem:$0x3FFE];
	[sflag:s23] =	ssyncadd.s32 $0xFFFFFFFF  }
0xa5: {  	s26 =	simm.s32 $execute0_lowered;
	[smem:$0x3FD2] =	sst s25  }
0xa6: {  	s4 =	sshll.u32 s26, $0x1;
	_ =	strace $0x80000046;
	[dreg:$0x1] =	wrdreg $0xFFFFFFFF  }
0xa7: {  	s28 =	simm.s32 $_size_execute0_lowered;
	s2 =	sadd.s32 s2, s4;
	[dreg:$0x0] =	wrdreg $0x0  }
0xa8: {  	s4 =	sshll.u32 s28, $0x1;
	[dreg:$0x2] =	wrdreg s2  }
0xa9: {  	[dreg:$0x3] =	wrdreg s4  }
0xaa: {  	[dreg:$0x4] =	wrdreg $0xC0  }
0xab: {  	_ =	task [dreg:s6], $0x5FFFF  }
0xac: {  	[dreg:$0x1] =	wrdreg $0xFFFFFFFF  }
0xad: {  	[dreg:$0x0] =	wrdreg $0x60  }
0xae: {  	[dreg:$0x2] =	wrdreg s24  }
0xaf: {  	[dreg:$0x3] =	wrdreg $0x161200  }
0xb0: {  	[dreg:$0x4] =	wrdreg $0x9  }
0xb1: {  	_ =	task.clear_ibuf [dreg:s6], $0x5FFFF;
	_ =	strace $0x90000046  }
0xb2: {  	s29 =	simm.s32 $0x9;
	_ =	strace $0x80000048  }
0xb3: {  	_ =	swait.ge [sflag:s29], $0x1  }
0xb4: {  	[sflag:s29] =	ssyncadd.s32 $0xFFFFFFFF  }
0xb5: {  	_ =	strace $0x90000048  }
0xb6: {  	_ =	sfence  }
0xb7: {  	s30 =	sld [smem:$0x0];
	_ =	sdelay $0x2  }
0xb8: {  	s31 =	sshll.u32 s1, $0xD;
	s1 =	sshrl.u32 s1, $0x2  }
0xb9: {  	s3 =	sand.u32 $0x4000, s31;
	s1 =	sadd.s32 s1, s30  }
0xba: {  	s0 =	sor.u32 s3, s0;
	s1 =	sshll.u32 s1, $0x11  }
0xbb: {  	s0 =	sor.u32 s1, s0  }
0xbc: {  	s0 =	sadd.s32 $0x8F2B, s0  }
0xbd: {  	[sflag:s0] =	ssyncadd.remote.s32 $0x1  }
0xbe: {  	_ =	sfence.sel $0xFFFF  }
0xbf: {  	[dreg:$0x0] =	wrdreg $0xFFFFFFFF;
	(pc) =	sbr.abs _section_cstart, $3  }
0xc0: {  	[dreg:$0x1] =	wrdreg $0xFFFFFFFF  }
0xc1: {  	_ =	task.clear_ibuf [dreg:s6], $0x2FFFF;
	_ =	strace $0x9FFFFFFF  }
0xc2: {  	(tm) =	ssettm $0x7FFFFFFF  }
0xc3: {  	_ =	shalt  }
tec
execute0_lowered:
.L_overlay_start_1:
0x0: {  	(tag) =	ssettag $0x1  }
0x1: {  	s9 =	rddreg [dreg:$0x0]  }
0x2: {  	s2 =	rddreg [dreg:$0x1]  }
0x3: {  	s0 =	rddreg [dreg:$0x2];
	s4 =	srdreg.scid  }
0x4: {  	s1 =	stileid.u32;
	s3 =	simm.s32 $0x0;
	s16 =	simm.s32 $0x154A0  }
0x5: {  	s17 =	simm.s32 $0x190;
	s18 =	simm.s32 $0x13880;
	s19 =	simm.s32 $0x0  }
0x6: {  	s10 =	sand.u32 $0x1, s4;
	s11 =	smul.u32 $0x2800, s1;
	[smem:$0x7FF] =	sst s3  }
0x7: {  	s4 =	sadd.s32 $0xBA00, s9;
	s5 =	sadd.s32 $0x1C00, s9;
	s6 =	sadd.s32 $0x15800, s9  }
0x8: {  	s7 =	sadd.s32 $0x18000, s9;
	s15 =	sshll.u32 s1, $0x6;
	s8 =	smul.u32 $0x28000, s10  }
0x9: {  	_ =	strace $0x80000047;
	s13 =	ssub.s32 $0x2, s10;
	s10 =	sshll.u32 s10, $0x4  }
0xa: {  	s30 =	sshrl.u32 s13, $0x1;
	s31 =	sor.u32 s1, s10;
	s14 =	sadd.s32 s11, s2  }
0xb: {  	s12 =	sadd.s32 s11, s8;
	s8 =	sadd.s32 $0x22600, s9;
	s13 =	ssub.s32 s13, s30  }
0xc: {  	s14 =	sshrl.u32 s14, $0x3;
	s12 =	sshrl.u32 s12, $0x3;
	s11 =	smax.u32 s13, $0x1  }
0xd: {  	s13 =	sor.u32 $0x1C01, s15;
	s15 =	simm.s32 $0x13BA0;
	s12 =	sadd.s32 s12, s9  }
0xe: {  	v0 =	vlaneseq.u32;
	s9 =	smul.u32 $0x2710, s31;
	s10 =	sadd.s32 $0x18600, s12;
	s12 =	simm.s32 $0x1  }
.LBB2_1:
0xf: {  	[tilespmem:s3], [sflag:$0x1] =	stream.linear.gather [hbm4b:s6+s3], $0x13880, $0x38;
	[tilespmem:$0x18920] =	vst v63  }
0x10: {  	_ =	swait.ge [sflag:s12], $0x13880  }
0x11: {  	[sflag:s12] =	ssyncset.done $0x0  }
0x12: {  	[sflag:s12] =	ssyncadd.s32 $0xFFFEC780  }
0x13: {  	[spmem:s14], [sflag:s13] =	dma.local [hbm:s7], $0x500  }
0x14: {  	_ =	swait.ge [sflag:s12], $0x500  }
0x15: {  	[sflag:s12] =	ssyncset.done $0x0  }
0x16: {  	[sflag:s12] =	ssyncadd.s32 $0xFFFFFB00  }
0x17: {  	[tilespmem:s15], [sflag:$0x1] =	stream.linear.gather [hbm4b:s7+s3], $0x1900, $0x38;
	[tilespmem:$0x18920] =	vst v63  }
0x18: {  	_ =	swait.ge [sflag:s12], $0x1900  }
0x19: {  	[sflag:s12] =	ssyncset.done $0x0  }
0x1a: {  	[sflag:s12] =	ssyncadd.s32 $0xFFFFE700  }
0x1b: {  	s20 =	simm.s32 $0x0;
	[bflag:$0x0] =	sbarrier.arrive $0xFFFF  }
.LBB2_2:
0x1c: {  	s21 =	smul.u32 $0x190, s20;
	_ =	sdelay $0x1  }
0x1d: {  	s21 =	sadd.s32 s9, s21  }
0x1e: {  	s23 =	sshrl.u32 s21, $0x3  }
0x1f: {  	s25 =	simm.s32 $0x0;
	s22 =	simm.s32 $0x13880;
	s24 =	sadd.s32 s4, s23  }
0x20: {  	[tilespmem:s22], [sflag:$0x1] =	stream.linear.gather [hbm4b:s24+s25], $0x190, $0x38;
	[tilespmem:$0x18920] =	vst v63  }
0x21: {  	_ =	swait.ge [sflag:s12], $0x190  }
0x22: {  	[sflag:s12] =	ssyncset.done $0x0  }
0x23: {  	s31 =	sadd.s32 s5, s23;
	s23 =	simm.s32 $0x13A10;
	[sflag:s12] =	ssyncadd.s32 $0xFFFFFE70  }
0x24: {  	[tilespmem:s23], [sflag:$0x1] =	stream.linear.gather [hbm4b:s31+s25], $0x190, $0x38;
	[tilespmem:$0x18920] =	vst v63  }
0x25: {  	_ =	swait.ge [sflag:s12], $0x190  }
0x26: {  	[sflag:s12] =	ssyncset.done $0x0  }
0x27: {  	[sflag:s12] =	ssyncadd.s32 $0xFFFFFE70  }
0x28: {  	v1 =	vld [tilespmem:s23+$0x0]  }
0x29: {  	v2 =	vld [tilespmem:s22+$0x0];
	_ =	sdelay $0x4  }
0x2a: {  	v1 =	vshll.u32 v1, $0x3;
	v2 =	vshll.u32 v2, $0x3  }
0x2b: {  	v3 =	vor.u32 $0x4, v1;
	_ =	sdelay $0x3  }
0x2c: {  	v4 =	vld.idx.msk [tilespmem:v2+s3+$0x0], $0xffff  }
0x2d: {  	v3 =	vld.idx.msk [tilespmem:v3+s3+$0x0], $0xffff;
	_ =	sdelay $0x4  }
0x2e: {  	v3 =	vadd.f32 v3, v4;
	_ =	sdelay $0x1  }
0x2f: {  	v4 =	vmul.f32 $2.000000030e-01, v3  }
0x30: {  	vm0 =	vge.f32 v3, $0.0e+00  }
0x31: {  	v3 =	vsel vm0, v3, v4  }
0x32: {  	v3 =	vmul.f32 $1.442695020e+00, v3;
	_ =	sdelay $0x1  }
0x33: {  	(erf) = vpow2.f32 v3;
	_ =	sdelay $0x3  }
0x34: {  	v3 =	vor.u32 s25, v0  }
0x35: {  	v57 =	vshll.u32 v3, $0x4  }
0x36: {  	v3 =	vshll.u32 v3, $0x3  }
0x37: {  	v5 =	vor.u32 $0x1, v2  }
0x38: {  	v6 =	vor.u32 $0x5, v1  }
0x39: {  	v7 =	vpop (erf)  }
0x3a: {  	[tilespmem:v57+s15+$0x0] =	vst.idx.msk $0xffff, v7  }
0x3b: {  	[tilespmem:v3+s16+$0x0] =	vst.idx.msk $0xffff, v7  }
0x3c: {  	v5 =	vld.idx.msk [tilespmem:v5+s3+$0x0], $0xffff  }
0x3d: {  	v6 =	vld.idx.msk [tilespmem:v6+s3+$0x0], $0xffff;
	_ =	sdelay $0x4  }
0x3e: {  	v5 =	vadd.f32 v6, v5;
	_ =	sdelay $0x1  }
0x3f: {  	v6 =	vmul.f32 $2.000000030e-01, v5  }
0x40: {  	vm13 =	vge.f32 v5, $0.0e+00  }
0x41: {  	v5 =	vsel vm13, v5, v6  }
0x42: {  	v5 =	vmul.f32 $1.442695020e+00, v5;
	_ =	sdelay $0x1  }
0x43: {  	(erf) = vpow2.f32 v5;
	_ =	sdelay $0x4  }
0x44: {  	v58 =	vor.u32 $0x1, v57  }
0x45: {  	v59 =	vor.u32 $0x1, v3  }
0x46: {  	v60 =	vor.u32 $0x2, v2  }
0x47: {  	v8 =	vor.u32 $0x6, v1  }
0x48: {  	v9 =	vpop (erf)  }
0x49: {  	[tilespmem:v58+s15+$0x0] =	vst.idx.msk $0xffff, v9  }
0x4a: {  	[tilespmem:v59+s16+$0x0] =	vst.idx.msk $0xffff, v9  }
0x4b: {  	v5 =	vld.idx.msk [tilespmem:v60+s3+$0x0], $0xffff  }
0x4c: {  	v6 =	vld.idx.msk [tilespmem:v8+s3+$0x0], $0xffff;
	_ =	sdelay $0x4  }
0x4d: {  	v5 =	vadd.f32 v6, v5;
	_ =	sdelay $0x1  }
0x4e: {  	v6 =	vmul.f32 $2.000000030e-01, v5  }
0x4f: {  	vm14 =	vge.f32 v5, $0.0e+00  }
0x50: {  	v5 =	vsel vm14, v5, v6  }
0x51: {  	v5 =	vmul.f32 $1.442695020e+00, v5;
	_ =	sdelay $0x1  }
0x52: {  	(erf) = vpow2.f32 v5;
	_ =	sdelay $0x4  }
0x53: {  	v61 =	vor.u32 $0x2, v57  }
0x54: {  	v62 =	vor.u32 $0x2, v3  }
0x55: {  	v2 =	vor.u32 $0x3, v2  }
0x56: {  	v1 =	vor.u32 $0x7, v1  }
0x57: {  	v63 =	vpop (erf)  }
0x58: {  	[tilespmem:v61+s15+$0x0] =	vst.idx.msk $0xffff, v63  }
0x59: {  	[tilespmem:v62+s16+$0x0] =	vst.idx.msk $0xffff, v63  }
0x5a: {  	v2 =	vld.idx.msk [tilespmem:v2+s3+$0x0], $0xffff  }
0x5b: {  	v1 =	vld.idx.msk [tilespmem:v1+s3+$0x0], $0xffff;
	_ =	sdelay $0x4  }
0x5c: {  	v1 =	vadd.f32 v1, v2;
	_ =	sdelay $0x1  }
0x5d: {  	v2 =	vmul.f32 $2.000000030e-01, v1  }
0x5e: {  	vm15 =	vge.f32 v1, $0.0e+00  }
0x5f: {  	v1 =	vsel vm15, v1, v2  }
0x60: {  	v1 =	vmul.f32 $1.442695020e+00, v1;
	_ =	sdelay $0x1  }
0x61: {  	(erf) = vpow2.f32 v1;
	_ =	sdelay $0x4  }
0x62: {  	s24 =	simm.s32 $0x10;
	v2 =	vor.u32 $0x3, v3;
	v1 =	vor.u32 $0x3, v57  }
.LBB2_3:
0x63: {  	_ = 	snop  }
0x64: {  	p0 =	sne.s32 s24, $0x180;
	s22 =	sadd.s32 $0x10, s22;
	s23 =	sadd.s32 $0x10, s23  }
0x65: {  	s25 =	smov.u32 s24;
	s24 =	sadd.s32 $0x10, s24  }
0x66: {  	v3 =	vpop (erf)  }
0x67: {  	[tilespmem:v1+s15+$0x0] =	vst.idx.msk $0xffff, v3  }
0x68: {  	[tilespmem:v2+s16+$0x0] =	vst.idx.msk $0xffff, v3  }
0x69: {  	v1 =	vld [tilespmem:s23+$0x0]  }
0x6a: {  	v2 =	vld [tilespmem:s22+$0x0];
	_ =	sdelay $0x3  }
0x6b: {  	v1 =	vshll.u32 v1, $0x3  }
0x6c: {  	v2 =	vshll.u32 v2, $0x3;
	v3 =	vor.u32 $0x4, v1;
	_ =	sdelay $0x4  }
0x6d: {  	v3 =	vld.idx.msk [tilespmem:v3+s3+$0x0], $0xffff  }
0x6e: {  	v4 =	vld.idx.msk [tilespmem:v2+s3+$0x0], $0xffff;
	_ =	sdelay $0x5  }
0x6f: {  	v3 =	vadd.f32 v3, v4;
	_ =	sdelay $0x1  }
0x70: {  	v4 =	vmul.f32 $2.000000030e-01, v3  }
0x71: {  	vm0 =	vge.f32 v3, $0.0e+00  }
0x72: {  	v3 =	vsel vm0, v3, v4  }
0x73: {  	v3 =	vmul.f32 $1.442695020e+00, v3;
	_ =	sdelay $0x1  }
0x74: {  	(erf) = vpow2.f32 v3;
	_ =	sdelay $0x3  }
0x75: {  	v3 =	vor.u32 s25, v0  }
0x76: {  	v4 =	vshll.u32 v3, $0x4  }
0x77: {  	v3 =	vshll.u32 v3, $0x3  }
0x78: {  	v5 =	vor.u32 $0x1, v2  }
0x79: {  	v6 =	vor.u32 $0x5, v1  }
0x7a: {  	v7 =	vpop (erf)  }
0x7b: {  	[tilespmem:v4+s15+$0x0] =	vst.idx.msk $0xffff, v7  }
0x7c: {  	[tilespmem:v3+s16+$0x0] =	vst.idx.msk $0xffff, v7  }
0x7d: {  	v5 =	vld.idx.msk [tilespmem:v5+s3+$0x0], $0xffff  }
0x7e: {  	v6 =	vld.idx.msk [tilespmem:v6+s3+$0x0], $0xffff;
	_ =	sdelay $0x5  }
0x7f: {  	v5 =	vadd.f32 v6, v5;
	_ =	sdelay $0x1  }
0x80: {  	v6 =	vmul.f32 $2.000000030e-01, v5  }
0x81: {  	vm0 =	vge.f32 v5, $0.0e+00  }
0x82: {  	v5 =	vsel vm0, v5, v6  }
0x83: {  	v5 =	vmul.f32 $1.442695020e+00, v5;
	_ =	sdelay $0x1  }
0x84: {  	(erf) = vpow2.f32 v5;
	_ =	sdelay $0x4  }
0x85: {  	v5 =	vor.u32 $0x1, v4  }
0x86: {  	v6 =	vor.u32 $0x1, v3  }
0x87: {  	v7 =	vor.u32 $0x2, v2  }
0x88: {  	v8 =	vor.u32 $0x6, v1  }
0x89: {  	v9 =	vpop (erf)  }
0x8a: {  	[tilespmem:v5+s15+$0x0] =	vst.idx.msk $0xffff, v9  }
0x8b: {  	[tilespmem:v6+s16+$0x0] =	vst.idx.msk $0xffff, v9  }
0x8c: {  	v5 =	vld.idx.msk [tilespmem:v7+s3+$0x0], $0xffff  }
0x8d: {  	v6 =	vld.idx.msk [tilespmem:v8+s3+$0x0], $0xffff;
	_ =	sdelay $0x5  }
0x8e: {  	v5 =	vadd.f32 v6, v5;
	_ =	sdelay $0x1  }
0x8f: {  	v6 =	vmul.f32 $2.000000030e-01, v5  }
0x90: {  	vm0 =	vge.f32 v5, $0.0e+00  }
0x91: {  	v5 =	vsel vm0, v5, v6  }
0x92: {  	v5 =	vmul.f32 $1.442695020e+00, v5;
	_ =	sdelay $0x1  }
0x93: {  	(erf) = vpow2.f32 v5;
	_ =	sdelay $0x4  }
0x94: {  	v5 =	vor.u32 $0x2, v4  }
0x95: {  	v6 =	vor.u32 $0x2, v3  }
0x96: {  	v1 =	vor.u32 $0x7, v1;
	v2 =	vor.u32 $0x3, v2;
	_ =	sdelay $0x1  }
0x97: {  	v7 =	vpop (erf)  }
0x98: {  	[tilespmem:v5+s15+$0x0] =	vst.idx.msk $0xffff, v7  }
0x99: {  	[tilespmem:v6+s16+$0x0] =	vst.idx.msk $0xffff, v7  }
0x9a: {  	v2 =	vld.idx.msk [tilespmem:v2+s3+$0x0], $0xffff  }
0x9b: {  	v1 =	vld.idx.msk [tilespmem:v1+s3+$0x0], $0xffff;
	_ =	sdelay $0x5  }
0x9c: {  	v1 =	vadd.f32 v1, v2;
	_ =	sdelay $0x1  }
0x9d: {  	vm0 =	vge.f32 v1, $0.0e+00;
	v2 =	vmul.f32 $2.000000030e-01, v1;
	_ =	sdelay $0x1  }
0x9e: {  	v1 =	vsel vm0, v1, v2  }
0x9f: {  	v1 =	vmul.f32 $1.442695020e+00, v1;
	_ =	sdelay $0x1  }
0xa0: {  	(erf) = vpow2.f32 v1  }
.Ltmp0:
0xa1: {  	(pc) =	sbr.rel @p0 .LBB2_3-.Ltmp0, $3  }
0xa2: {  	_ =	sdelay $0x1  }
0xa3: {  	v1 =	vor.u32 $0x3, v4  }
0xa4: {  	v2 =	vor.u32 $0x3, v3  }
0xa5: {  	_ =	sdelay $0x2  }
0xa6: {  	v3 =	vpop (erf)  }
0xa7: {  	[tilespmem:v1+s15+$0x0] =	vst.idx.msk $0xffff, v3  }
0xa8: {  	[tilespmem:v2+s16+$0x0] =	vst.idx.msk $0xffff, v3  }
0xa9: {  	[spmem:s2] =	stream.indirect.scatter.add.f32 [tilespmem:s15], [sflag:$0x1], $0x10, s18, s17, $0xb8;
	[tilespmem:$0x18920] =	vst v63  }
0xaa: {  	s20 =	sadd.s32 $0x1, s20;
	_ =	swait.ge [sflag:s12], $0x1900  }
0xab: {  	p0 =	sne.s32 s20, $0x19;
	[sflag:s12] =	ssyncset.done $0x0  }
.Ltmp1:
0xac: {  	s21 =	sadd.s32 s8, s21;
	[sflag:s12] =	ssyncadd.s32 $0xFFFFE700;
	(pc) =	sbr.rel @p0 .LBB2_2-.Ltmp1, $4  }
0xad: {  	[hbm4b:s21+s3] =	stream.linear.scatter [tilespmem:s16], [sflag:$0x1], $0xC80, $0x38;
	[tilespmem:$0x18920] =	vst v63  }
0xae: {  	_ =	swait.ge [sflag:s12], $0xC80  }
0xaf: {  	[sflag:s12] =	ssyncset.done $0x0  }
0xb0: {  	[sflag:s12] =	ssyncadd.s32 $0xFFFFF380  }
0xb1: {  	s19 =	sadd.s32 $0x1, s19  }
0xb2: {  	p0 =	sne.s32 s19, s11  }
.Ltmp2:
0xb3: {  	[bflag:$0x0] =	sbarrier.arrive $0xFFFF;
	(pc) =	sbr.rel @p0 .LBB2_1-.Ltmp2, $4  }
0xb4: {  	[hbm:s10], [sflag:s13] =	dma.local [spmem:s14], $0x500  }
0xb5: {  	_ =	swait.ge [sflag:s12], $0x500  }
0xb6: {  	[sflag:s12] =	ssyncset.done $0x0  }
0xb7: {  	[sflag:s12] =	ssyncadd.s32 $0xFFFFFB00  }
0xb8: {  	_ =	sfence.sel $0x180000  }
0xb9: {  	[bflag:$0x0] =	sbarrier.arrive $0xFFFF  }
0xba: {  	p0 =	sne.s32 s1, $0x0;
	_ =	strace $0x90000047  }
0xbb: {  	s0 =	sadd.s32 @!p0 $0x100000, s0;
	[bflag:$0x2] =	sbarrier.arrive $0xFFFF  }
0xbc: {  	[sflag:s0] =	ssyncadd.tile.s32 @!p0 $0x1;
	_ =	shalt  }
.Lfunc_end2:
_tile_overlayer_lowered:
.L_overlay_start_2:
0xbd: {  	(tag) =	ssettag $0x2  }
0xbe: {  	s0 =	rddreg [dreg:$0x0];
	s2 =	stileid.u32  }
0xbf: {  	s1 =	rddreg [dreg:$0x1];
	p0 =	sne.s32 s2, $0x0  }
0xc0: {  	s3 =	rddreg [dreg:$0x2];
	[bflag:$0x3] =	sbarrier.arrive $0xFFFF;
	s2 =	simm.s32 @!p0 $0x1C01  }
0xc1: {  	[timem:s3], [sflag:s2] =	dma.local @!p0 [hbm:s0], s1  }
0xc2: {  	s0 =	simm.s32 @!p0 $0x1  }
0xc3: {  	_ =	swait.ge @!p0 [sflag:s0], s1  }
0xc4: {  	s1 =	ssub.s32 @!p0 $0x0, s1;
	[sflag:s0] =	ssyncset.done @!p0 $0x0  }
0xc5: {  	[sflag:s0] =	ssyncadd.s32 @!p0 s1  }
0xc6: {  	[bflag:$0x3] =	sbarrier.arrive $0xFFFF  }
0xc7: {  	_ =	shalt  }

</sc_bundles>
